<compile_context>
chip_gen: v7x
topology: tpu7x:2x2x1
jax: 0.10.2.dev20260603
libtpu: 0.0.44.dev20260713+nightly
codegen_flags: <defaults>
</compile_context>

<pallas_src>
import functools

import jax
import jax.numpy as jnp
from jax import lax
from jax.experimental import pallas as pl
from jax.experimental.pallas import tpu as pltpu
from jax.experimental.pallas import tpu_sc as plsc

VOCAB = 1000
HIDDEN = 256

NC = 2
NS = 16
NW = NC * NS

C = 128
NCH = 50
D = HIDDEN
HC = C // 2


def _proj_kernel(e_ref, w_ref, b_ref, out_ref):
    out_ref[...] = lax.dot_general(
        e_ref[...], w_ref[...],
        dimension_numbers=(((1,), (1,)), ((), ())),
        preferred_element_type=jnp.float32,
    ) + b_ref[...]


def _project_table(E, W, b2d):
    return pl.pallas_call(
        _proj_kernel,
        out_shape=jax.ShapeDtypeStruct((VOCAB, HIDDEN), jnp.float32),
    )(E, W, b2d)


def _gather_body(table_hbm, idx_hbm, out_hbm, shr, idx_v,
                 rows0, rows1, gsem0, gsem1, bsem0, bsem1, dsem0, dsem1):
    wid = lax.axis_index("s") * NC + lax.axis_index("c")
    sid = lax.axis_index("s")
    rows = (rows0, rows1)
    gsem = (gsem0, gsem1)
    bsem = (bsem0, bsem1)
    dsem = (dsem0, dsem1)
    spm = (shr.at[sid, 0], shr.at[sid, 1])
    row0 = wid * (NCH * C)
    pltpu.sync_copy(idx_hbm.at[wid], idx_v)

    g0 = pltpu.async_copy(table_hbm.at[idx_v.at[0]], rows[0], gsem0)
    g1 = pltpu.async_copy(table_hbm.at[idx_v.at[1]], rows[1], gsem1)
    del g0, g1

    @pl.loop(0, NCH, step=2)
    def _(ch):
        for b in range(2):
            cur = ch + b
            pltpu.make_async_copy(table_hbm.at[idx_v.at[cur]],
                                  rows[b], gsem[b]).wait()

            for h in range(2):
                @pl.when(cur * 2 + h >= 2)
                def _():
                    pltpu.make_async_copy(
                        spm[h],
                        out_hbm.at[pl.ds(row0 + cur * C + (h - 2) * HC, HC)],
                        dsem[h]).wait()

                half = rows[b].at[pl.ds(h * HC, HC)]
                pltpu.async_copy(half, spm[h], bsem[h])
                pltpu.make_async_copy(half, spm[h], bsem[h]).wait()
                pltpu.async_copy(
                    spm[h],
                    out_hbm.at[pl.ds(row0 + cur * C + h * HC, HC)],
                    dsem[h])

            @pl.when(cur + 2 < NCH)
            def _():
                pltpu.async_copy(table_hbm.at[idx_v.at[cur + 2]],
                                 rows[b], gsem[b])

    for h in range(2):
        pltpu.make_async_copy(
            spm[h],
            out_hbm.at[pl.ds(row0 + (NCH - 1) * C + h * HC, HC)],
            dsem[h]).wait()


@functools.cache
def _gather():
    return pl.kernel(
        _gather_body,
        out_type=jax.ShapeDtypeStruct((NW * NCH * C, D), jnp.float32),
        mesh=plsc.VectorSubcoreMesh(
            core_axis_name="c", subcore_axis_name="s",
            num_cores=NC, num_subcores=NS),
        compiler_params=pltpu.CompilerParams(use_tc_tiling_on_sc=True),
        scratch_types=[
            pltpu.VMEM_SHARED((NS, 2, HC, D), jnp.float32),
            pltpu.VMEM((NCH, C), jnp.int32),
            pltpu.VMEM((C, D), jnp.float32),
            pltpu.VMEM((C, D), jnp.float32),
            pltpu.SemaphoreType.DMA,
            pltpu.SemaphoreType.DMA,
            pltpu.SemaphoreType.DMA,
            pltpu.SemaphoreType.DMA,
            pltpu.SemaphoreType.DMA,
            pltpu.SemaphoreType.DMA,
        ],
    )


def kernel(input_ids, embed_table, W, b):
    B, S = input_ids.shape
    P = _project_table(embed_table, W, b.reshape(1, HIDDEN))
    idx = input_ids.T.reshape(NW, NCH, C).astype(jnp.int32)
    out = _gather()(P, idx)
    return out.reshape(S, B, HIDDEN).transpose(1, 0, 2)

# --- scband reference (transcript-rebuilt; emitter-appended) ---
"""Pipeline reference for scband-mock-backbone-26663156973922 (READ-ONLY COPY).

The authoritative reference and input builder live on the scoring server;
editing this copy changes nothing except your own understanding.
"""

import jax, jax.numpy as jnp
import numpy as np

VOCAB = 1000
HIDDEN = 256
BATCH = 4096
SEQ = 50

def setup_inputs(seed: int = 0) -> dict:
    key = jax.random.key(seed)
    k_ids, k_emb, k_w, k_b = jax.random.split(key, 4)
    input_ids = jax.random.randint(k_ids, (BATCH, SEQ), 0, VOCAB, dtype=jnp.int64 if jax.config.jax_enable_x64 else jnp.int32)
    embed_table = jax.random.normal(k_emb, (VOCAB, HIDDEN), dtype=jnp.float32)
    W = jax.random.normal(k_w, (HIDDEN, HIDDEN), dtype=jnp.float32) * (1.0 / np.sqrt(HIDDEN))
    b = jax.random.normal(k_b, (HIDDEN,), dtype=jnp.float32) * 0.01
    return {"input_ids": input_ids, "embed_table": embed_table, "W": W, "b": b}

def reference(input_ids, embed_table, W, b):
    # MockBackbone.forward with input_ids path:
    # hidden = self.embed(input_ids)  -> gather rows from embedding table
    hidden = jnp.take(embed_table, input_ids, axis=0)
    # hidden = self.proj(hidden)      -> nn.Linear: x @ W.T + b
    hidden = jnp.einsum('bsh,oh->bso', hidden, W) + b
    # returns MockModelOutput(last_hidden_state=hidden); we return the tensor
    return hidden

if __name__ == "__main__":
    import jax
    _d = setup_inputs()
    print(jax.jit(kernel)(*tuple(_d.values())))

</pallas_src>

<mosaic_0001>
#map = affine_map<(d0, d1) -> (0, 0)>
#map1 = affine_map<(d0, d1) -> (0, 0, 0)>
module attributes {stable_mosaic.version = 14 : i64} {
  func.func @_gather_body(%arg0: i32, %arg1: i32, %arg2: memref<1000x256xf32, #tpu.memory_space<hbm>>, %arg3: memref<32x50x128xi32, #tpu.memory_space<hbm>>, %arg4: memref<204800x256xf32, #tpu.memory_space<hbm>>, %arg5: memref<16x2x64x256xf32, #tpu.memory_space<vmem_shared>>, %arg6: memref<50x128xi32, #tpu.memory_space<vmem>>, %arg7: memref<128x256xf32, #tpu.memory_space<vmem>>, %arg8: memref<128x256xf32, #tpu.memory_space<vmem>>, %arg9: memref<!tpu.dma_semaphore, #tpu.memory_space<semaphore_mem>>, %arg10: memref<!tpu.dma_semaphore, #tpu.memory_space<semaphore_mem>>, %arg11: memref<!tpu.dma_semaphore, #tpu.memory_space<semaphore_mem>>, %arg12: memref<!tpu.dma_semaphore, #tpu.memory_space<semaphore_mem>>, %arg13: memref<!tpu.dma_semaphore, #tpu.memory_space<semaphore_mem>>, %arg14: memref<!tpu.dma_semaphore, #tpu.memory_space<semaphore_mem>>) attributes {dimension_semantics = [#tpu.dimension_semantics<core_parallel>, #tpu.dimension_semantics<subcore_parallel>], iteration_bounds = array<i64: 2, 16>, scalar_prefetch = 0 : i64, scratch_operands = 10 : i64, tpu.core_type = #tpu.core_type<sc_vector_subcore>, window_params = [{transform_indices = #map}, {transform_indices = #map1}, {transform_indices = #map}]} {
    %mul3A = arith.constant 2 : i32
    %mul3A_0 = arith.muli %arg1, %mul3A : i32
    %add3A = arith.addi %mul3A_0, %arg0 : i32
    %mul3A_1 = arith.constant 6400 : i32
    %mul3A_2 = arith.muli %add3A, %mul3A_1 : i32
    "tpu.region"() ({
      %run_scoped3A = tpu.sem_alloc : memref<!tpu.dma_semaphore, #tpu.memory_space<semaphore_mem>>
      %dma_start3A_43 = arith.constant 0 : i32
      %dma_start3A_44 = arith.constant 0 : i32
      %dma_start3A_45 = tpu.memref_slice %arg3[%add3A, %dma_start3A_43, %dma_start3A_44] : memref<32x50x128xi32, #tpu.memory_space<hbm>> -> memref<1x50x128xi32, #tpu.memory_space<hbm>>
      %dma_start3A_46 = tpu.memref_squeeze %dma_start3A_45 : memref<1x50x128xi32, #tpu.memory_space<hbm>> -> memref<50x128xi32, #tpu.memory_space<hbm>>
      %dma_start3A_47 = arith.constant 0 : i32
      %dma_start3A_48 = arith.constant 0 : i32
      %dma_start3A_49 = tpu.memref_slice %arg3[%add3A, %dma_start3A_47, %dma_start3A_48] : memref<32x50x128xi32, #tpu.memory_space<hbm>> -> memref<1x50x128xi32, #tpu.memory_space<hbm>>
      %dma_start3A_50 = tpu.memref_squeeze %dma_start3A_49 : memref<1x50x128xi32, #tpu.memory_space<hbm>> -> memref<50x128xi32, #tpu.memory_space<hbm>>
      tpu.enqueue_dma source(%dma_start3A_50 : memref<50x128xi32, #tpu.memory_space<hbm>>) target(%arg6 : memref<50x128xi32, #tpu.memory_space<vmem>>) target_semaphore(%run_scoped3A : memref<!tpu.dma_semaphore, #tpu.memory_space<semaphore_mem>>)
      %dma_wait3A_51 = arith.constant 0 : i32
      %dma_wait3A_52 = arith.constant 0 : i32
      %dma_wait3A_53 = tpu.memref_slice %arg3[%add3A, %dma_wait3A_51, %dma_wait3A_52] : memref<32x50x128xi32, #tpu.memory_space<hbm>> -> memref<1x50x128xi32, #tpu.memory_space<hbm>>
      %dma_wait3A_54 = tpu.memref_squeeze %dma_wait3A_53 : memref<1x50x128xi32, #tpu.memory_space<hbm>> -> memref<50x128xi32, #tpu.memory_space<hbm>>
      %dma_wait3A_55 = arith.constant 0 : i32
      %dma_wait3A_56 = arith.constant 0 : i32
      %dma_wait3A_57 = tpu.memref_slice %arg3[%add3A, %dma_wait3A_55, %dma_wait3A_56] : memref<32x50x128xi32, #tpu.memory_space<hbm>> -> memref<1x50x128xi32, #tpu.memory_space<hbm>>
      %dma_wait3A_58 = tpu.memref_squeeze %dma_wait3A_57 : memref<1x50x128xi32, #tpu.memory_space<hbm>> -> memref<50x128xi32, #tpu.memory_space<hbm>>
      tpu.wait_dma2 semaphore(%run_scoped3A : memref<!tpu.dma_semaphore, #tpu.memory_space<semaphore_mem>>) src(%dma_wait3A_58 : memref<50x128xi32, #tpu.memory_space<hbm>>) dst(%arg6 : memref<50x128xi32, #tpu.memory_space<vmem>>)
      tpu.yield
    }) : () -> ()
    %dma_start3A = arith.constant 0 : i32
    %dma_start3A_3 = arith.constant 0 : i32
    %dma_start3A_4 = tpu.memref_slice %arg6[%dma_start3A, %dma_start3A_3] : memref<50x128xi32, #tpu.memory_space<vmem>> -> memref<1x128xi32, #tpu.memory_space<vmem>>
    %dma_start3A_5 = tpu.memref_squeeze %dma_start3A_4 : memref<1x128xi32, #tpu.memory_space<vmem>> -> memref<128xi32, #tpu.memory_space<vmem>>
    %dma_start3A_6 = arith.constant 0 : i32
    %dma_start3A_7 = arith.constant 0 : i32
    %dma_start3A_8 = tpu.memref_slice %arg2[%dma_start3A_6, %dma_start3A_7] : memref<1000x256xf32, #tpu.memory_space<hbm>> -> memref<1000x256xf32, #tpu.memory_space<hbm>>
    tpu.enqueue_indirect_dma source(%dma_start3A_8 : memref<1000x256xf32, #tpu.memory_space<hbm>>) target(%arg7 : memref<128x256xf32, #tpu.memory_space<vmem>>) offsets(%dma_start3A_5 : memref<128xi32, #tpu.memory_space<vmem>>) semaphore(%arg9 : memref<!tpu.dma_semaphore, #tpu.memory_space<semaphore_mem>>)
    %dma_start3A_9 = arith.constant 1 : i32
    %dma_start3A_10 = arith.constant 0 : i32
    %dma_start3A_11 = tpu.memref_slice %arg6[%dma_start3A_9, %dma_start3A_10] : memref<50x128xi32, #tpu.memory_space<vmem>> -> memref<1x128xi32, #tpu.memory_space<vmem>>
    %dma_start3A_12 = tpu.memref_squeeze %dma_start3A_11 : memref<1x128xi32, #tpu.memory_space<vmem>> -> memref<128xi32, #tpu.memory_space<vmem>>
    %dma_start3A_13 = arith.constant 0 : i32
    %dma_start3A_14 = arith.constant 0 : i32
    %dma_start3A_15 = tpu.memref_slice %arg2[%dma_start3A_13, %dma_start3A_14] : memref<1000x256xf32, #tpu.memory_space<hbm>> -> memref<1000x256xf32, #tpu.memory_space<hbm>>
    tpu.enqueue_indirect_dma source(%dma_start3A_15 : memref<1000x256xf32, #tpu.memory_space<hbm>>) target(%arg8 : memref<128x256xf32, #tpu.memory_space<vmem>>) offsets(%dma_start3A_12 : memref<128xi32, #tpu.memory_space<vmem>>) semaphore(%arg10 : memref<!tpu.dma_semaphore, #tpu.memory_space<semaphore_mem>>)
    %scan3A = arith.constant 0 : i32
    %scan3A_16 = arith.constant 1 : i32
    %scan3A_17 = arith.constant 0 : i32
    %scan3A_18 = arith.constant 25 : i32
    %scan3A_19 = arith.addi %scan3A_17, %scan3A_18 : i32
    %scan3A_20 = arith.constant 1 : i32
    scf.for %scan3A_43 = %scan3A_17 to %scan3A_19 step %scan3A_20  : i32 {
      %mul3A_44 = arith.constant 2 : i32
      %mul3A_45 = arith.muli %scan3A_43, %mul3A_44 : i32
      %add3A_46 = arith.constant 0 : i32
      %add3A_47 = arith.addi %add3A_46, %mul3A_45 : i32
      %add3A_48 = arith.constant 0 : i32
      %add3A_49 = arith.addi %add3A_47, %add3A_48 : i32
      %dma_wait3A_50 = arith.constant 0 : i32
      %dma_wait3A_51 = tpu.memref_slice %arg6[%add3A_49, %dma_wait3A_50] : memref<50x128xi32, #tpu.memory_space<vmem>> -> memref<1x128xi32, #tpu.memory_space<vmem>>
      %dma_wait3A_52 = tpu.memref_squeeze %dma_wait3A_51 : memref<1x128xi32, #tpu.memory_space<vmem>> -> memref<128xi32, #tpu.memory_space<vmem>>
      %dma_wait3A_53 = arith.constant 0 : i32
      %dma_wait3A_54 = arith.constant 0 : i32
      %dma_wait3A_55 = tpu.memref_slice %arg2[%dma_wait3A_53, %dma_wait3A_54] : memref<1000x256xf32, #tpu.memory_space<hbm>> -> memref<1000x256xf32, #tpu.memory_space<hbm>>
      tpu.wait_indirect_dma semaphore(%arg9 : memref<!tpu.dma_semaphore, #tpu.memory_space<semaphore_mem>>) src(%dma_wait3A_55 : memref<1000x256xf32, #tpu.memory_space<hbm>>) dst(%arg7 : memref<128x256xf32, #tpu.memory_space<vmem>>)
      %mul3A_56 = arith.constant 2 : i32
      %mul3A_57 = arith.muli %add3A_49, %mul3A_56 : i32
      %add3A_58 = arith.constant 0 : i32
      %add3A_59 = arith.addi %mul3A_57, %add3A_58 : i32
      %ge3A = arith.constant 2 : i32
      %ge3A_60 = arith.cmpi sge, %add3A_59, %ge3A : i32
      %convert_element_type3A = arith.extui %ge3A_60 : i1 to i32
      %cond3A = arith.constant 0 : i32
      %cond3A_61 = arith.cmpi ne, %convert_element_type3A, %cond3A : i32
      scf.if %cond3A_61 {
        %mul3A_266 = arith.constant 128 : i32
        %mul3A_267 = arith.muli %add3A_49, %mul3A_266 : i32
        %add3A_268 = arith.addi %mul3A_2, %mul3A_267 : i32
        %add3A_269 = arith.constant -128 : i32
        %add3A_270 = arith.addi %add3A_268, %add3A_269 : i32
        %dma_wait3A_271 = arith.constant 0 : i32
        %dma_wait3A_272 = tpu.memref_slice %arg4[%add3A_270, %dma_wait3A_271] : memref<204800x256xf32, #tpu.memory_space<hbm>> -> memref<64x256xf32, #tpu.memory_space<hbm>>
        %dma_wait3A_273 = arith.constant 0 : i32
        %dma_wait3A_274 = arith.constant 0 : i32
        %dma_wait3A_275 = tpu.memref_slice %arg5[%arg1, %scan3A, %dma_wait3A_273, %dma_wait3A_274] : memref<16x2x64x256xf32, #tpu.memory_space<vmem_shared>> -> memref<1x1x64x256xf32, #tpu.memory_space<vmem_shared>>
        %dma_wait3A_276 = tpu.memref_squeeze %dma_wait3A_275 : memref<1x1x64x256xf32, #tpu.memory_space<vmem_shared>> -> memref<64x256xf32, #tpu.memory_space<vmem_shared>>
        tpu.wait_dma2 semaphore(%arg13 : memref<!tpu.dma_semaphore, #tpu.memory_space<semaphore_mem>>) src(%dma_wait3A_276 : memref<64x256xf32, #tpu.memory_space<vmem_shared>>) dst(%dma_wait3A_272 : memref<64x256xf32, #tpu.memory_space<hbm>>)
      } else {
      }
      %dma_start3A_62 = arith.constant 0 : i32
      %dma_start3A_63 = arith.constant 0 : i32
      %dma_start3A_64 = tpu.memref_slice %arg7[%dma_start3A_62, %dma_start3A_63] : memref<128x256xf32, #tpu.memory_space<vmem>> -> memref<64x256xf32, #tpu.memory_space<vmem>>
      %dma_start3A_65 = arith.constant 0 : i32
      %dma_start3A_66 = arith.constant 0 : i32
      %dma_start3A_67 = tpu.memref_slice %arg5[%arg1, %scan3A, %dma_start3A_65, %dma_start3A_66] : memref<16x2x64x256xf32, #tpu.memory_space<vmem_shared>> -> memref<1x1x64x256xf32, #tpu.memory_space<vmem_shared>>
      %dma_start3A_68 = tpu.memref_squeeze %dma_start3A_67 : memref<1x1x64x256xf32, #tpu.memory_space<vmem_shared>> -> memref<64x256xf32, #tpu.memory_space<vmem_shared>>
      %dma_start3A_69 = arith.constant 0 : i32
      %dma_start3A_70 = arith.constant 0 : i32
      %dma_start3A_71 = tpu.memref_slice %arg5[%arg1, %scan3A, %dma_start3A_69, %dma_start3A_70] : memref<16x2x64x256xf32, #tpu.memory_space<vmem_shared>> -> memref<1x1x64x256xf32, #tpu.memory_space<vmem_shared>>
      %dma_start3A_72 = tpu.memref_squeeze %dma_start3A_71 : memref<1x1x64x256xf32, #tpu.memory_space<vmem_shared>> -> memref<64x256xf32, #tpu.memory_space<vmem_shared>>
      %dma_start3A_73 = arith.constant 0 : i32
      %dma_start3A_74 = arith.constant 0 : i32
      %dma_start3A_75 = tpu.memref_slice %arg7[%dma_start3A_73, %dma_start3A_74] : memref<128x256xf32, #tpu.memory_space<vmem>> -> memref<64x256xf32, #tpu.memory_space<vmem>>
      tpu.enqueue_dma source(%dma_start3A_75 : memref<64x256xf32, #tpu.memory_space<vmem>>) target(%dma_start3A_72 : memref<64x256xf32, #tpu.memory_space<vmem_shared>>) target_semaphore(%arg11 : memref<!tpu.dma_semaphore, #tpu.memory_space<semaphore_mem>>)
      %dma_wait3A_76 = arith.constant 0 : i32
      %dma_wait3A_77 = arith.constant 0 : i32
      %dma_wait3A_78 = tpu.memref_slice %arg7[%dma_wait3A_76, %dma_wait3A_77] : memref<128x256xf32, #tpu.memory_space<vmem>> -> memref<64x256xf32, #tpu.memory_space<vmem>>
      %dma_wait3A_79 = arith.constant 0 : i32
      %dma_wait3A_80 = arith.constant 0 : i32
      %dma_wait3A_81 = tpu.memref_slice %arg5[%arg1, %scan3A, %dma_wait3A_79, %dma_wait3A_80] : memref<16x2x64x256xf32, #tpu.memory_space<vmem_shared>> -> memref<1x1x64x256xf32, #tpu.memory_space<vmem_shared>>
      %dma_wait3A_82 = tpu.memref_squeeze %dma_wait3A_81 : memref<1x1x64x256xf32, #tpu.memory_space<vmem_shared>> -> memref<64x256xf32, #tpu.memory_space<vmem_shared>>
      %dma_wait3A_83 = arith.constant 0 : i32
      %dma_wait3A_84 = arith.constant 0 : i32
      %dma_wait3A_85 = tpu.memref_slice %arg5[%arg1, %scan3A, %dma_wait3A_83, %dma_wait3A_84] : memref<16x2x64x256xf32, #tpu.memory_space<vmem_shared>> -> memref<1x1x64x256xf32, #tpu.memory_space<vmem_shared>>
      %dma_wait3A_86 = tpu.memref_squeeze %dma_wait3A_85 : memref<1x1x64x256xf32, #tpu.memory_space<vmem_shared>> -> memref<64x256xf32, #tpu.memory_space<vmem_shared>>
      %dma_wait3A_87 = arith.constant 0 : i32
      %dma_wait3A_88 = arith.constant 0 : i32
      %dma_wait3A_89 = tpu.memref_slice %arg7[%dma_wait3A_87, %dma_wait3A_88] : memref<128x256xf32, #tpu.memory_space<vmem>> -> memref<64x256xf32, #tpu.memory_space<vmem>>
      tpu.wait_dma2 semaphore(%arg11 : memref<!tpu.dma_semaphore, #tpu.memory_space<semaphore_mem>>) src(%dma_wait3A_89 : memref<64x256xf32, #tpu.memory_space<vmem>>) dst(%dma_wait3A_86 : memref<64x256xf32, #tpu.memory_space<vmem_shared>>)
      %mul3A_90 = arith.constant 128 : i32
      %mul3A_91 = arith.muli %add3A_49, %mul3A_90 : i32
      %add3A_92 = arith.addi %mul3A_2, %mul3A_91 : i32
      %add3A_93 = arith.constant 0 : i32
      %add3A_94 = arith.addi %add3A_92, %add3A_93 : i32
      %dma_start3A_95 = arith.constant 0 : i32
      %dma_start3A_96 = tpu.memref_slice %arg4[%add3A_94, %dma_start3A_95] : memref<204800x256xf32, #tpu.memory_space<hbm>> -> memref<64x256xf32, #tpu.memory_space<hbm>>
      %dma_start3A_97 = arith.constant 0 : i32
      %dma_start3A_98 = arith.constant 0 : i32
      %dma_start3A_99 = tpu.memref_slice %arg5[%arg1, %scan3A, %dma_start3A_97, %dma_start3A_98] : memref<16x2x64x256xf32, #tpu.memory_space<vmem_shared>> -> memref<1x1x64x256xf32, #tpu.memory_space<vmem_shared>>
      %dma_start3A_100 = tpu.memref_squeeze %dma_start3A_99 : memref<1x1x64x256xf32, #tpu.memory_space<vmem_shared>> -> memref<64x256xf32, #tpu.memory_space<vmem_shared>>
      tpu.enqueue_dma source(%dma_start3A_100 : memref<64x256xf32, #tpu.memory_space<vmem_shared>>) target(%dma_start3A_96 : memref<64x256xf32, #tpu.memory_space<hbm>>) target_semaphore(%arg13 : memref<!tpu.dma_semaphore, #tpu.memory_space<semaphore_mem>>)
      %mul3A_101 = arith.constant 2 : i32
      %mul3A_102 = arith.muli %add3A_49, %mul3A_101 : i32
      %add3A_103 = arith.constant 1 : i32
      %add3A_104 = arith.addi %mul3A_102, %add3A_103 : i32
      %ge3A_105 = arith.constant 2 : i32
      %ge3A_106 = arith.cmpi sge, %add3A_104, %ge3A_105 : i32
      %convert_element_type3A_107 = arith.extui %ge3A_106 : i1 to i32
      %cond3A_108 = arith.constant 0 : i32
      %cond3A_109 = arith.cmpi ne, %convert_element_type3A_107, %cond3A_108 : i32
      scf.if %cond3A_109 {
        %mul3A_266 = arith.constant 128 : i32
        %mul3A_267 = arith.muli %add3A_49, %mul3A_266 : i32
        %add3A_268 = arith.addi %mul3A_2, %mul3A_267 : i32
        %add3A_269 = arith.constant -64 : i32
        %add3A_270 = arith.addi %add3A_268, %add3A_269 : i32
        %dma_wait3A_271 = arith.constant 0 : i32
        %dma_wait3A_272 = tpu.memref_slice %arg4[%add3A_270, %dma_wait3A_271] : memref<204800x256xf32, #tpu.memory_space<hbm>> -> memref<64x256xf32, #tpu.memory_space<hbm>>
        %dma_wait3A_273 = arith.constant 0 : i32
        %dma_wait3A_274 = arith.constant 0 : i32
        %dma_wait3A_275 = tpu.memref_slice %arg5[%arg1, %scan3A_16, %dma_wait3A_273, %dma_wait3A_274] : memref<16x2x64x256xf32, #tpu.memory_space<vmem_shared>> -> memref<1x1x64x256xf32, #tpu.memory_space<vmem_shared>>
        %dma_wait3A_276 = tpu.memref_squeeze %dma_wait3A_275 : memref<1x1x64x256xf32, #tpu.memory_space<vmem_shared>> -> memref<64x256xf32, #tpu.memory_space<vmem_shared>>
        tpu.wait_dma2 semaphore(%arg14 : memref<!tpu.dma_semaphore, #tpu.memory_space<semaphore_mem>>) src(%dma_wait3A_276 : memref<64x256xf32, #tpu.memory_space<vmem_shared>>) dst(%dma_wait3A_272 : memref<64x256xf32, #tpu.memory_space<hbm>>)
      } else {
      }
      %dma_start3A_110 = arith.constant 64 : i32
      %dma_start3A_111 = arith.constant 0 : i32
      %dma_start3A_112 = tpu.memref_slice %arg7[%dma_start3A_110, %dma_start3A_111] : memref<128x256xf32, #tpu.memory_space<vmem>> -> memref<64x256xf32, #tpu.memory_space<vmem>>
      %dma_start3A_113 = arith.constant 0 : i32
      %dma_start3A_114 = arith.constant 0 : i32
      %dma_start3A_115 = tpu.memref_slice %arg5[%arg1, %scan3A_16, %dma_start3A_113, %dma_start3A_114] : memref<16x2x64x256xf32, #tpu.memory_space<vmem_shared>> -> memref<1x1x64x256xf32, #tpu.memory_space<vmem_shared>>
      %dma_start3A_116 = tpu.memref_squeeze %dma_start3A_115 : memref<1x1x64x256xf32, #tpu.memory_space<vmem_shared>> -> memref<64x256xf32, #tpu.memory_space<vmem_shared>>
      %dma_start3A_117 = arith.constant 0 : i32
      %dma_start3A_118 = arith.constant 0 : i32
      %dma_start3A_119 = tpu.memref_slice %arg5[%arg1, %scan3A_16, %dma_start3A_117, %dma_start3A_118] : memref<16x2x64x256xf32, #tpu.memory_space<vmem_shared>> -> memref<1x1x64x256xf32, #tpu.memory_space<vmem_shared>>
      %dma_start3A_120 = tpu.memref_squeeze %dma_start3A_119 : memref<1x1x64x256xf32, #tpu.memory_space<vmem_shared>> -> memref<64x256xf32, #tpu.memory_space<vmem_shared>>
      %dma_start3A_121 = arith.constant 64 : i32
      %dma_start3A_122 = arith.constant 0 : i32
      %dma_start3A_123 = tpu.memref_slice %arg7[%dma_start3A_121, %dma_start3A_122] : memref<128x256xf32, #tpu.memory_space<vmem>> -> memref<64x256xf32, #tpu.memory_space<vmem>>
      tpu.enqueue_dma source(%dma_start3A_123 : memref<64x256xf32, #tpu.memory_space<vmem>>) target(%dma_start3A_120 : memref<64x256xf32, #tpu.memory_space<vmem_shared>>) target_semaphore(%arg12 : memref<!tpu.dma_semaphore, #tpu.memory_space<semaphore_mem>>)
      %dma_wait3A_124 = arith.constant 64 : i32
      %dma_wait3A_125 = arith.constant 0 : i32
      %dma_wait3A_126 = tpu.memref_slice %arg7[%dma_wait3A_124, %dma_wait3A_125] : memref<128x256xf32, #tpu.memory_space<vmem>> -> memref<64x256xf32, #tpu.memory_space<vmem>>
      %dma_wait3A_127 = arith.constant 0 : i32
      %dma_wait3A_128 = arith.constant 0 : i32
      %dma_wait3A_129 = tpu.memref_slice %arg5[%arg1, %scan3A_16, %dma_wait3A_127, %dma_wait3A_128] : memref<16x2x64x256xf32, #tpu.memory_space<vmem_shared>> -> memref<1x1x64x256xf32, #tpu.memory_space<vmem_shared>>
      %dma_wait3A_130 = tpu.memref_squeeze %dma_wait3A_129 : memref<1x1x64x256xf32, #tpu.memory_space<vmem_shared>> -> memref<64x256xf32, #tpu.memory_space<vmem_shared>>
      %dma_wait3A_131 = arith.constant 0 : i32
      %dma_wait3A_132 = arith.constant 0 : i32
      %dma_wait3A_133 = tpu.memref_slice %arg5[%arg1, %scan3A_16, %dma_wait3A_131, %dma_wait3A_132] : memref<16x2x64x256xf32, #tpu.memory_space<vmem_shared>> -> memref<1x1x64x256xf32, #tpu.memory_space<vmem_shared>>
      %dma_wait3A_134 = tpu.memref_squeeze %dma_wait3A_133 : memref<1x1x64x256xf32, #tpu.memory_space<vmem_shared>> -> memref<64x256xf32, #tpu.memory_space<vmem_shared>>
      %dma_wait3A_135 = arith.constant 64 : i32
      %dma_wait3A_136 = arith.constant 0 : i32
      %dma_wait3A_137 = tpu.memref_slice %arg7[%dma_wait3A_135, %dma_wait3A_136] : memref<128x256xf32, #tpu.memory_space<vmem>> -> memref<64x256xf32, #tpu.memory_space<vmem>>
      tpu.wait_dma2 semaphore(%arg12 : memref<!tpu.dma_semaphore, #tpu.memory_space<semaphore_mem>>) src(%dma_wait3A_137 : memref<64x256xf32, #tpu.memory_space<vmem>>) dst(%dma_wait3A_134 : memref<64x256xf32, #tpu.memory_space<vmem_shared>>)
      %mul3A_138 = arith.constant 128 : i32
      %mul3A_139 = arith.muli %add3A_49, %mul3A_138 : i32
      %add3A_140 = arith.addi %mul3A_2, %mul3A_139 : i32
      %add3A_141 = arith.constant 64 : i32
      %add3A_142 = arith.addi %add3A_140, %add3A_141 : i32
      %dma_start3A_143 = arith.constant 0 : i32
      %dma_start3A_144 = tpu.memref_slice %arg4[%add3A_142, %dma_start3A_143] : memref<204800x256xf32, #tpu.memory_space<hbm>> -> memref<64x256xf32, #tpu.memory_space<hbm>>
      %dma_start3A_145 = arith.constant 0 : i32
      %dma_start3A_146 = arith.constant 0 : i32
      %dma_start3A_147 = tpu.memref_slice %arg5[%arg1, %scan3A_16, %dma_start3A_145, %dma_start3A_146] : memref<16x2x64x256xf32, #tpu.memory_space<vmem_shared>> -> memref<1x1x64x256xf32, #tpu.memory_space<vmem_shared>>
      %dma_start3A_148 = tpu.memref_squeeze %dma_start3A_147 : memref<1x1x64x256xf32, #tpu.memory_space<vmem_shared>> -> memref<64x256xf32, #tpu.memory_space<vmem_shared>>
      tpu.enqueue_dma source(%dma_start3A_148 : memref<64x256xf32, #tpu.memory_space<vmem_shared>>) target(%dma_start3A_144 : memref<64x256xf32, #tpu.memory_space<hbm>>) target_semaphore(%arg14 : memref<!tpu.dma_semaphore, #tpu.memory_space<semaphore_mem>>)
      %add3A_149 = arith.constant 2 : i32
      %add3A_150 = arith.addi %add3A_49, %add3A_149 : i32
      %lt3A = arith.constant 50 : i32
      %lt3A_151 = arith.cmpi slt, %add3A_150, %lt3A : i32
      %convert_element_type3A_152 = arith.extui %lt3A_151 : i1 to i32
      %cond3A_153 = arith.constant 0 : i32
      %cond3A_154 = arith.cmpi ne, %convert_element_type3A_152, %cond3A_153 : i32
      scf.if %cond3A_154 {
        %add3A_266 = arith.constant 2 : i32
        %add3A_267 = arith.addi %add3A_49, %add3A_266 : i32
        %dma_start3A_268 = arith.constant 0 : i32
        %dma_start3A_269 = tpu.memref_slice %arg6[%add3A_267, %dma_start3A_268] : memref<50x128xi32, #tpu.memory_space<vmem>> -> memref<1x128xi32, #tpu.memory_space<vmem>>
        %dma_start3A_270 = tpu.memref_squeeze %dma_start3A_269 : memref<1x128xi32, #tpu.memory_space<vmem>> -> memref<128xi32, #tpu.memory_space<vmem>>
        %dma_start3A_271 = arith.constant 0 : i32
        %dma_start3A_272 = arith.constant 0 : i32
        %dma_start3A_273 = tpu.memref_slice %arg2[%dma_start3A_271, %dma_start3A_272] : memref<1000x256xf32, #tpu.memory_space<hbm>> -> memref<1000x256xf32, #tpu.memory_space<hbm>>
        tpu.enqueue_indirect_dma source(%dma_start3A_273 : memref<1000x256xf32, #tpu.memory_space<hbm>>) target(%arg7 : memref<128x256xf32, #tpu.memory_space<vmem>>) offsets(%dma_start3A_270 : memref<128xi32, #tpu.memory_space<vmem>>) semaphore(%arg9 : memref<!tpu.dma_semaphore, #tpu.memory_space<semaphore_mem>>)
      } else {
      }
      %add3A_155 = arith.constant 1 : i32
      %add3A_156 = arith.addi %add3A_47, %add3A_155 : i32
      %dma_wait3A_157 = arith.constant 0 : i32
      %dma_wait3A_158 = tpu.memref_slice %arg6[%add3A_156, %dma_wait3A_157] : memref<50x128xi32, #tpu.memory_space<vmem>> -> memref<1x128xi32, #tpu.memory_space<vmem>>
      %dma_wait3A_159 = tpu.memref_squeeze %dma_wait3A_158 : memref<1x128xi32, #tpu.memory_space<vmem>> -> memref<128xi32, #tpu.memory_space<vmem>>
      %dma_wait3A_160 = arith.constant 0 : i32
      %dma_wait3A_161 = arith.constant 0 : i32
      %dma_wait3A_162 = tpu.memref_slice %arg2[%dma_wait3A_160, %dma_wait3A_161] : memref<1000x256xf32, #tpu.memory_space<hbm>> -> memref<1000x256xf32, #tpu.memory_space<hbm>>
      tpu.wait_indirect_dma semaphore(%arg10 : memref<!tpu.dma_semaphore, #tpu.memory_space<semaphore_mem>>) src(%dma_wait3A_162 : memref<1000x256xf32, #tpu.memory_space<hbm>>) dst(%arg8 : memref<128x256xf32, #tpu.memory_space<vmem>>)
      %mul3A_163 = arith.constant 2 : i32
      %mul3A_164 = arith.muli %add3A_156, %mul3A_163 : i32
      %add3A_165 = arith.constant 0 : i32
      %add3A_166 = arith.addi %mul3A_164, %add3A_165 : i32
      %ge3A_167 = arith.constant 2 : i32
      %ge3A_168 = arith.cmpi sge, %add3A_166, %ge3A_167 : i32
      %convert_element_type3A_169 = arith.extui %ge3A_168 : i1 to i32
      %cond3A_170 = arith.constant 0 : i32
      %cond3A_171 = arith.cmpi ne, %convert_element_type3A_169, %cond3A_170 : i32
      scf.if %cond3A_171 {
        %mul3A_266 = arith.constant 128 : i32
        %mul3A_267 = arith.muli %add3A_156, %mul3A_266 : i32
        %add3A_268 = arith.addi %mul3A_2, %mul3A_267 : i32
        %add3A_269 = arith.constant -128 : i32
        %add3A_270 = arith.addi %add3A_268, %add3A_269 : i32
        %dma_wait3A_271 = arith.constant 0 : i32
        %dma_wait3A_272 = tpu.memref_slice %arg4[%add3A_270, %dma_wait3A_271] : memref<204800x256xf32, #tpu.memory_space<hbm>> -> memref<64x256xf32, #tpu.memory_space<hbm>>
        %dma_wait3A_273 = arith.constant 0 : i32
        %dma_wait3A_274 = arith.constant 0 : i32
        %dma_wait3A_275 = tpu.memref_slice %arg5[%arg1, %scan3A, %dma_wait3A_273, %dma_wait3A_274] : memref<16x2x64x256xf32, #tpu.memory_space<vmem_shared>> -> memref<1x1x64x256xf32, #tpu.memory_space<vmem_shared>>
        %dma_wait3A_276 = tpu.memref_squeeze %dma_wait3A_275 : memref<1x1x64x256xf32, #tpu.memory_space<vmem_shared>> -> memref<64x256xf32, #tpu.memory_space<vmem_shared>>
        tpu.wait_dma2 semaphore(%arg13 : memref<!tpu.dma_semaphore, #tpu.memory_space<semaphore_mem>>) src(%dma_wait3A_276 : memref<64x256xf32, #tpu.memory_space<vmem_shared>>) dst(%dma_wait3A_272 : memref<64x256xf32, #tpu.memory_space<hbm>>)
      } else {
      }
      %dma_start3A_172 = arith.constant 0 : i32
      %dma_start3A_173 = arith.constant 0 : i32
      %dma_start3A_174 = tpu.memref_slice %arg8[%dma_start3A_172, %dma_start3A_173] : memref<128x256xf32, #tpu.memory_space<vmem>> -> memref<64x256xf32, #tpu.memory_space<vmem>>
      %dma_start3A_175 = arith.constant 0 : i32
      %dma_start3A_176 = arith.constant 0 : i32
      %dma_start3A_177 = tpu.memref_slice %arg5[%arg1, %scan3A, %dma_start3A_175, %dma_start3A_176] : memref<16x2x64x256xf32, #tpu.memory_space<vmem_shared>> -> memref<1x1x64x256xf32, #tpu.memory_space<vmem_shared>>
      %dma_start3A_178 = tpu.memref_squeeze %dma_start3A_177 : memref<1x1x64x256xf32, #tpu.memory_space<vmem_shared>> -> memref<64x256xf32, #tpu.memory_space<vmem_shared>>
      %dma_start3A_179 = arith.constant 0 : i32
      %dma_start3A_180 = arith.constant 0 : i32
      %dma_start3A_181 = tpu.memref_slice %arg5[%arg1, %scan3A, %dma_start3A_179, %dma_start3A_180] : memref<16x2x64x256xf32, #tpu.memory_space<vmem_shared>> -> memref<1x1x64x256xf32, #tpu.memory_space<vmem_shared>>
      %dma_start3A_182 = tpu.memref_squeeze %dma_start3A_181 : memref<1x1x64x256xf32, #tpu.memory_space<vmem_shared>> -> memref<64x256xf32, #tpu.memory_space<vmem_shared>>
      %dma_start3A_183 = arith.constant 0 : i32
      %dma_start3A_184 = arith.constant 0 : i32
      %dma_start3A_185 = tpu.memref_slice %arg8[%dma_start3A_183, %dma_start3A_184] : memref<128x256xf32, #tpu.memory_space<vmem>> -> memref<64x256xf32, #tpu.memory_space<vmem>>
      tpu.enqueue_dma source(%dma_start3A_185 : memref<64x256xf32, #tpu.memory_space<vmem>>) target(%dma_start3A_182 : memref<64x256xf32, #tpu.memory_space<vmem_shared>>) target_semaphore(%arg11 : memref<!tpu.dma_semaphore, #tpu.memory_space<semaphore_mem>>)
      %dma_wait3A_186 = arith.constant 0 : i32
      %dma_wait3A_187 = arith.constant 0 : i32
      %dma_wait3A_188 = tpu.memref_slice %arg8[%dma_wait3A_186, %dma_wait3A_187] : memref<128x256xf32, #tpu.memory_space<vmem>> -> memref<64x256xf32, #tpu.memory_space<vmem>>
      %dma_wait3A_189 = arith.constant 0 : i32
      %dma_wait3A_190 = arith.constant 0 : i32
      %dma_wait3A_191 = tpu.memref_slice %arg5[%arg1, %scan3A, %dma_wait3A_189, %dma_wait3A_190] : memref<16x2x64x256xf32, #tpu.memory_space<vmem_shared>> -> memref<1x1x64x256xf32, #tpu.memory_space<vmem_shared>>
      %dma_wait3A_192 = tpu.memref_squeeze %dma_wait3A_191 : memref<1x1x64x256xf32, #tpu.memory_space<vmem_shared>> -> memref<64x256xf32, #tpu.memory_space<vmem_shared>>
      %dma_wait3A_193 = arith.constant 0 : i32
      %dma_wait3A_194 = arith.constant 0 : i32
      %dma_wait3A_195 = tpu.memref_slice %arg5[%arg1, %scan3A, %dma_wait3A_193, %dma_wait3A_194] : memref<16x2x64x256xf32, #tpu.memory_space<vmem_shared>> -> memref<1x1x64x256xf32, #tpu.memory_space<vmem_shared>>
      %dma_wait3A_196 = tpu.memref_squeeze %dma_wait3A_195 : memref<1x1x64x256xf32, #tpu.memory_space<vmem_shared>> -> memref<64x256xf32, #tpu.memory_space<vmem_shared>>
      %dma_wait3A_197 = arith.constant 0 : i32
      %dma_wait3A_198 = arith.constant 0 : i32
      %dma_wait3A_199 = tpu.memref_slice %arg8[%dma_wait3A_197, %dma_wait3A_198] : memref<128x256xf32, #tpu.memory_space<vmem>> -> memref<64x256xf32, #tpu.memory_space<vmem>>
      tpu.wait_dma2 semaphore(%arg11 : memref<!tpu.dma_semaphore, #tpu.memory_space<semaphore_mem>>) src(%dma_wait3A_199 : memref<64x256xf32, #tpu.memory_space<vmem>>) dst(%dma_wait3A_196 : memref<64x256xf32, #tpu.memory_space<vmem_shared>>)
      %mul3A_200 = arith.constant 128 : i32
      %mul3A_201 = arith.muli %add3A_156, %mul3A_200 : i32
      %add3A_202 = arith.addi %mul3A_2, %mul3A_201 : i32
      %add3A_203 = arith.constant 0 : i32
      %add3A_204 = arith.addi %add3A_202, %add3A_203 : i32
      %dma_start3A_205 = arith.constant 0 : i32
      %dma_start3A_206 = tpu.memref_slice %arg4[%add3A_204, %dma_start3A_205] : memref<204800x256xf32, #tpu.memory_space<hbm>> -> memref<64x256xf32, #tpu.memory_space<hbm>>
      %dma_start3A_207 = arith.constant 0 : i32
      %dma_start3A_208 = arith.constant 0 : i32
      %dma_start3A_209 = tpu.memref_slice %arg5[%arg1, %scan3A, %dma_start3A_207, %dma_start3A_208] : memref<16x2x64x256xf32, #tpu.memory_space<vmem_shared>> -> memref<1x1x64x256xf32, #tpu.memory_space<vmem_shared>>
      %dma_start3A_210 = tpu.memref_squeeze %dma_start3A_209 : memref<1x1x64x256xf32, #tpu.memory_space<vmem_shared>> -> memref<64x256xf32, #tpu.memory_space<vmem_shared>>
      tpu.enqueue_dma source(%dma_start3A_210 : memref<64x256xf32, #tpu.memory_space<vmem_shared>>) target(%dma_start3A_206 : memref<64x256xf32, #tpu.memory_space<hbm>>) target_semaphore(%arg13 : memref<!tpu.dma_semaphore, #tpu.memory_space<semaphore_mem>>)
      %mul3A_211 = arith.constant 2 : i32
      %mul3A_212 = arith.muli %add3A_156, %mul3A_211 : i32
      %add3A_213 = arith.constant 1 : i32
      %add3A_214 = arith.addi %mul3A_212, %add3A_213 : i32
      %ge3A_215 = arith.constant 2 : i32
      %ge3A_216 = arith.cmpi sge, %add3A_214, %ge3A_215 : i32
      %convert_element_type3A_217 = arith.extui %ge3A_216 : i1 to i32
      %cond3A_218 = arith.constant 0 : i32
      %cond3A_219 = arith.cmpi ne, %convert_element_type3A_217, %cond3A_218 : i32
      scf.if %cond3A_219 {
        %mul3A_266 = arith.constant 128 : i32
        %mul3A_267 = arith.muli %add3A_156, %mul3A_266 : i32
        %add3A_268 = arith.addi %mul3A_2, %mul3A_267 : i32
        %add3A_269 = arith.constant -64 : i32
        %add3A_270 = arith.addi %add3A_268, %add3A_269 : i32
        %dma_wait3A_271 = arith.constant 0 : i32
        %dma_wait3A_272 = tpu.memref_slice %arg4[%add3A_270, %dma_wait3A_271] : memref<204800x256xf32, #tpu.memory_space<hbm>> -> memref<64x256xf32, #tpu.memory_space<hbm>>
        %dma_wait3A_273 = arith.constant 0 : i32
        %dma_wait3A_274 = arith.constant 0 : i32
        %dma_wait3A_275 = tpu.memref_slice %arg5[%arg1, %scan3A_16, %dma_wait3A_273, %dma_wait3A_274] : memref<16x2x64x256xf32, #tpu.memory_space<vmem_shared>> -> memref<1x1x64x256xf32, #tpu.memory_space<vmem_shared>>
        %dma_wait3A_276 = tpu.memref_squeeze %dma_wait3A_275 : memref<1x1x64x256xf32, #tpu.memory_space<vmem_shared>> -> memref<64x256xf32, #tpu.memory_space<vmem_shared>>
        tpu.wait_dma2 semaphore(%arg14 : memref<!tpu.dma_semaphore, #tpu.memory_space<semaphore_mem>>) src(%dma_wait3A_276 : memref<64x256xf32, #tpu.memory_space<vmem_shared>>) dst(%dma_wait3A_272 : memref<64x256xf32, #tpu.memory_space<hbm>>)
      } else {
      }
      %dma_start3A_220 = arith.constant 64 : i32
      %dma_start3A_221 = arith.constant 0 : i32
      %dma_start3A_222 = tpu.memref_slice %arg8[%dma_start3A_220, %dma_start3A_221] : memref<128x256xf32, #tpu.memory_space<vmem>> -> memref<64x256xf32, #tpu.memory_space<vmem>>
      %dma_start3A_223 = arith.constant 0 : i32
      %dma_start3A_224 = arith.constant 0 : i32
      %dma_start3A_225 = tpu.memref_slice %arg5[%arg1, %scan3A_16, %dma_start3A_223, %dma_start3A_224] : memref<16x2x64x256xf32, #tpu.memory_space<vmem_shared>> -> memref<1x1x64x256xf32, #tpu.memory_space<vmem_shared>>
      %dma_start3A_226 = tpu.memref_squeeze %dma_start3A_225 : memref<1x1x64x256xf32, #tpu.memory_space<vmem_shared>> -> memref<64x256xf32, #tpu.memory_space<vmem_shared>>
      %dma_start3A_227 = arith.constant 0 : i32
      %dma_start3A_228 = arith.constant 0 : i32
      %dma_start3A_229 = tpu.memref_slice %arg5[%arg1, %scan3A_16, %dma_start3A_227, %dma_start3A_228] : memref<16x2x64x256xf32, #tpu.memory_space<vmem_shared>> -> memref<1x1x64x256xf32, #tpu.memory_space<vmem_shared>>
      %dma_start3A_230 = tpu.memref_squeeze %dma_start3A_229 : memref<1x1x64x256xf32, #tpu.memory_space<vmem_shared>> -> memref<64x256xf32, #tpu.memory_space<vmem_shared>>
      %dma_start3A_231 = arith.constant 64 : i32
      %dma_start3A_232 = arith.constant 0 : i32
      %dma_start3A_233 = tpu.memref_slice %arg8[%dma_start3A_231, %dma_start3A_232] : memref<128x256xf32, #tpu.memory_space<vmem>> -> memref<64x256xf32, #tpu.memory_space<vmem>>
      tpu.enqueue_dma source(%dma_start3A_233 : memref<64x256xf32, #tpu.memory_space<vmem>>) target(%dma_start3A_230 : memref<64x256xf32, #tpu.memory_space<vmem_shared>>) target_semaphore(%arg12 : memref<!tpu.dma_semaphore, #tpu.memory_space<semaphore_mem>>)
      %dma_wait3A_234 = arith.constant 64 : i32
      %dma_wait3A_235 = arith.constant 0 : i32
      %dma_wait3A_236 = tpu.memref_slice %arg8[%dma_wait3A_234, %dma_wait3A_235] : memref<128x256xf32, #tpu.memory_space<vmem>> -> memref<64x256xf32, #tpu.memory_space<vmem>>
      %dma_wait3A_237 = arith.constant 0 : i32
      %dma_wait3A_238 = arith.constant 0 : i32
      %dma_wait3A_239 = tpu.memref_slice %arg5[%arg1, %scan3A_16, %dma_wait3A_237, %dma_wait3A_238] : memref<16x2x64x256xf32, #tpu.memory_space<vmem_shared>> -> memref<1x1x64x256xf32, #tpu.memory_space<vmem_shared>>
      %dma_wait3A_240 = tpu.memref_squeeze %dma_wait3A_239 : memref<1x1x64x256xf32, #tpu.memory_space<vmem_shared>> -> memref<64x256xf32, #tpu.memory_space<vmem_shared>>
      %dma_wait3A_241 = arith.constant 0 : i32
      %dma_wait3A_242 = arith.constant 0 : i32
      %dma_wait3A_243 = tpu.memref_slice %arg5[%arg1, %scan3A_16, %dma_wait3A_241, %dma_wait3A_242] : memref<16x2x64x256xf32, #tpu.memory_space<vmem_shared>> -> memref<1x1x64x256xf32, #tpu.memory_space<vmem_shared>>
      %dma_wait3A_244 = tpu.memref_squeeze %dma_wait3A_243 : memref<1x1x64x256xf32, #tpu.memory_space<vmem_shared>> -> memref<64x256xf32, #tpu.memory_space<vmem_shared>>
      %dma_wait3A_245 = arith.constant 64 : i32
      %dma_wait3A_246 = arith.constant 0 : i32
      %dma_wait3A_247 = tpu.memref_slice %arg8[%dma_wait3A_245, %dma_wait3A_246] : memref<128x256xf32, #tpu.memory_space<vmem>> -> memref<64x256xf32, #tpu.memory_space<vmem>>
      tpu.wait_dma2 semaphore(%arg12 : memref<!tpu.dma_semaphore, #tpu.memory_space<semaphore_mem>>) src(%dma_wait3A_247 : memref<64x256xf32, #tpu.memory_space<vmem>>) dst(%dma_wait3A_244 : memref<64x256xf32, #tpu.memory_space<vmem_shared>>)
      %mul3A_248 = arith.constant 128 : i32
      %mul3A_249 = arith.muli %add3A_156, %mul3A_248 : i32
      %add3A_250 = arith.addi %mul3A_2, %mul3A_249 : i32
      %add3A_251 = arith.constant 64 : i32
      %add3A_252 = arith.addi %add3A_250, %add3A_251 : i32
      %dma_start3A_253 = arith.constant 0 : i32
      %dma_start3A_254 = tpu.memref_slice %arg4[%add3A_252, %dma_start3A_253] : memref<204800x256xf32, #tpu.memory_space<hbm>> -> memref<64x256xf32, #tpu.memory_space<hbm>>
      %dma_start3A_255 = arith.constant 0 : i32
      %dma_start3A_256 = arith.constant 0 : i32
      %dma_start3A_257 = tpu.memref_slice %arg5[%arg1, %scan3A_16, %dma_start3A_255, %dma_start3A_256] : memref<16x2x64x256xf32, #tpu.memory_space<vmem_shared>> -> memref<1x1x64x256xf32, #tpu.memory_space<vmem_shared>>
      %dma_start3A_258 = tpu.memref_squeeze %dma_start3A_257 : memref<1x1x64x256xf32, #tpu.memory_space<vmem_shared>> -> memref<64x256xf32, #tpu.memory_space<vmem_shared>>
      tpu.enqueue_dma source(%dma_start3A_258 : memref<64x256xf32, #tpu.memory_space<vmem_shared>>) target(%dma_start3A_254 : memref<64x256xf32, #tpu.memory_space<hbm>>) target_semaphore(%arg14 : memref<!tpu.dma_semaphore, #tpu.memory_space<semaphore_mem>>)
      %add3A_259 = arith.constant 2 : i32
      %add3A_260 = arith.addi %add3A_156, %add3A_259 : i32
      %lt3A_261 = arith.constant 50 : i32
      %lt3A_262 = arith.cmpi slt, %add3A_260, %lt3A_261 : i32
      %convert_element_type3A_263 = arith.extui %lt3A_262 : i1 to i32
      %cond3A_264 = arith.constant 0 : i32
      %cond3A_265 = arith.cmpi ne, %convert_element_type3A_263, %cond3A_264 : i32
      scf.if %cond3A_265 {
        %add3A_266 = arith.constant 2 : i32
        %add3A_267 = arith.addi %add3A_156, %add3A_266 : i32
        %dma_start3A_268 = arith.constant 0 : i32
        %dma_start3A_269 = tpu.memref_slice %arg6[%add3A_267, %dma_start3A_268] : memref<50x128xi32, #tpu.memory_space<vmem>> -> memref<1x128xi32, #tpu.memory_space<vmem>>
        %dma_start3A_270 = tpu.memref_squeeze %dma_start3A_269 : memref<1x128xi32, #tpu.memory_space<vmem>> -> memref<128xi32, #tpu.memory_space<vmem>>
        %dma_start3A_271 = arith.constant 0 : i32
        %dma_start3A_272 = arith.constant 0 : i32
        %dma_start3A_273 = tpu.memref_slice %arg2[%dma_start3A_271, %dma_start3A_272] : memref<1000x256xf32, #tpu.memory_space<hbm>> -> memref<1000x256xf32, #tpu.memory_space<hbm>>
        tpu.enqueue_indirect_dma source(%dma_start3A_273 : memref<1000x256xf32, #tpu.memory_space<hbm>>) target(%arg8 : memref<128x256xf32, #tpu.memory_space<vmem>>) offsets(%dma_start3A_270 : memref<128xi32, #tpu.memory_space<vmem>>) semaphore(%arg10 : memref<!tpu.dma_semaphore, #tpu.memory_space<semaphore_mem>>)
      } else {
      }
    }
    %scan3A_21 = arith.constant 25 : i32
    %add3A_22 = arith.constant 6272 : i32
    %add3A_23 = arith.addi %mul3A_2, %add3A_22 : i32
    %add3A_24 = arith.constant 0 : i32
    %add3A_25 = arith.addi %add3A_23, %add3A_24 : i32
    %dma_wait3A = arith.constant 0 : i32
    %dma_wait3A_26 = arith.constant 0 : i32
    %dma_wait3A_27 = tpu.memref_slice %arg4[%add3A_25, %dma_wait3A_26] : memref<204800x256xf32, #tpu.memory_space<hbm>> -> memref<64x256xf32, #tpu.memory_space<hbm>>
    %dma_wait3A_28 = arith.constant 0 : i32
    %dma_wait3A_29 = arith.constant 0 : i32
    %dma_wait3A_30 = tpu.memref_slice %arg5[%arg1, %dma_wait3A, %dma_wait3A_28, %dma_wait3A_29] : memref<16x2x64x256xf32, #tpu.memory_space<vmem_shared>> -> memref<1x1x64x256xf32, #tpu.memory_space<vmem_shared>>
    %dma_wait3A_31 = tpu.memref_squeeze %dma_wait3A_30 : memref<1x1x64x256xf32, #tpu.memory_space<vmem_shared>> -> memref<64x256xf32, #tpu.memory_space<vmem_shared>>
    tpu.wait_dma2 semaphore(%arg13 : memref<!tpu.dma_semaphore, #tpu.memory_space<semaphore_mem>>) src(%dma_wait3A_31 : memref<64x256xf32, #tpu.memory_space<vmem_shared>>) dst(%dma_wait3A_27 : memref<64x256xf32, #tpu.memory_space<hbm>>)
    %add3A_32 = arith.constant 6272 : i32
    %add3A_33 = arith.addi %mul3A_2, %add3A_32 : i32
    %add3A_34 = arith.constant 64 : i32
    %add3A_35 = arith.addi %add3A_33, %add3A_34 : i32
    %dma_wait3A_36 = arith.constant 1 : i32
    %dma_wait3A_37 = arith.constant 0 : i32
    %dma_wait3A_38 = tpu.memref_slice %arg4[%add3A_35, %dma_wait3A_37] : memref<204800x256xf32, #tpu.memory_space<hbm>> -> memref<64x256xf32, #tpu.memory_space<hbm>>
    %dma_wait3A_39 = arith.constant 0 : i32
    %dma_wait3A_40 = arith.constant 0 : i32
    %dma_wait3A_41 = tpu.memref_slice %arg5[%arg1, %dma_wait3A_36, %dma_wait3A_39, %dma_wait3A_40] : memref<16x2x64x256xf32, #tpu.memory_space<vmem_shared>> -> memref<1x1x64x256xf32, #tpu.memory_space<vmem_shared>>
    %dma_wait3A_42 = tpu.memref_squeeze %dma_wait3A_41 : memref<1x1x64x256xf32, #tpu.memory_space<vmem_shared>> -> memref<64x256xf32, #tpu.memory_space<vmem_shared>>
    tpu.wait_dma2 semaphore(%arg14 : memref<!tpu.dma_semaphore, #tpu.memory_space<semaphore_mem>>) src(%dma_wait3A_42 : memref<64x256xf32, #tpu.memory_space<vmem_shared>>) dst(%dma_wait3A_38 : memref<64x256xf32, #tpu.memory_space<hbm>>)
    return
  }
}

module attributes {stable_mosaic.version = 14 : i64} {
  func.func @_proj_kernel(%arg0: memref<1000x256xf32, #tpu.memory_space<vmem>>, %arg1: memref<256x256xf32, #tpu.memory_space<vmem>>, %arg2: memref<1x256xf32, #tpu.memory_space<vmem>>, %arg3: memref<1000x256xf32, #tpu.memory_space<vmem>>) attributes {dimension_semantics = [], scalar_prefetch = 0 : i64, scratch_operands = 0 : i64, tpu.core_type = #tpu.core_type<tc>} {
    %get3A = arith.constant 0 : index
    %get3A_0 = arith.constant 0 : index
    %get3A_1 = vector.load %arg0[%get3A, %get3A_0] : memref<1000x256xf32, #tpu.memory_space<vmem>>, vector<1000x256xf32>
    %get3A_2 = arith.constant 0 : index
    %get3A_3 = arith.constant 0 : index
    %get3A_4 = vector.load %arg1[%get3A_2, %get3A_3] : memref<256x256xf32, #tpu.memory_space<vmem>>, vector<256x256xf32>
    %dot_general3A = arith.constant dense<0.000000e+00> : vector<1000x256xf32>
    %dot_general3A_5 = tpu.matmul %get3A_1, %get3A_4, %dot_general3A {dimension_numbers = #tpu.dot_dimension_numbers<[1], [1], [0], [0], [0, 0, 1, 0], [], []>, transpose_lhs_hint = false} : vector<1000x256xf32>, vector<256x256xf32>, vector<1000x256xf32> -> vector<1000x256xf32>
    %get3A_6 = arith.constant 0 : index
    %get3A_7 = arith.constant 0 : index
    %get3A_8 = vector.load %arg2[%get3A_6, %get3A_7] : memref<1x256xf32, #tpu.memory_space<vmem>>, vector<1x256xf32>
    %add3A = vector.broadcast %get3A_8 : vector<1x256xf32> to vector<1000x256xf32>
    %add3A_9 = arith.addf %dot_general3A_5, %add3A : vector<1000x256xf32>
    %swap3A = arith.constant 0 : index
    %swap3A_10 = arith.constant 0 : index
    %swap3A_11 = vector.load %arg3[%swap3A, %swap3A_10] : memref<1000x256xf32, #tpu.memory_space<vmem>>, vector<1000x256xf32>
    tpu.vector_store %arg3[%swap3A, %swap3A_10], %add3A_9 {strides = array<i32>} : memref<1000x256xf32, #tpu.memory_space<vmem>>, vector<1000x256xf32>,
    return
  }
}

</mosaic_0001>

<sc_bundles>
// kernel: kernel.4.cloned.1.call-start
scs
__scs_entry_jumppad:
0x0: {  	(pc) =	sbr.rel $0x88, $3  }
0x1: {  	(tag) =	ssettag $0x0;
	lr =	simm.s32 $0x1  }
0x2: {  	[smem:$0x3F9D] =	sst lr;
	_ =	strace $0xD0000000  }
0x3: {  	_ = 	snop  }
0x4: {  	_ = 	snop  }
0x5: {  	_ = 	snop  }
0x6: {  	_ = 	snop  }
0x7: {  	_ = 	snop  }
__scs_overlays_trampoline_lowered:
0x8: {  	[smem:$0x3FAC] =	sst s0  }
0x9: {  	[smem:$0x3FAD] =	sst s1  }
0xa: {  	[smem:$0x3FAE] =	sst s2  }
0xb: {  	[smem:$0x3FAF] =	sst s3  }
0xc: {  	[smem:$0x3FB0] =	sst s4  }
0xd: {  	[smem:$0x3FB1] =	sst s5  }
0xe: {  	[smem:$0x3FB2] =	sst s6  }
0xf: {  	[smem:$0x3FB3] =	sst s7  }
0x10: {  	[smem:$0x3FB4] =	sst s8  }
0x11: {  	[smem:$0x3FB5] =	sst s9;
	s0 =	simm.s32 @!p0 $0x0  }
0x12: {  	s1 =	sld [smem:$0x3F9B];
	s0 =	simm.s32 @p0 $0x1  }
0x13: {  	[smem:$0x3FB6] =	sst s0;
	s0 =	simm.s32 @!p1 $0x0  }
0x14: {  	s2 =	sld [smem:$0x3F9A];
	s0 =	simm.s32 @p1 $0x1  }
0x15: {  	[smem:$0x3FB7] =	sst s0;
	s0 =	simm.s32 @!p2 $0x0  }
0x16: {  	s3 =	sld [smem:$0x3FDB];
	s0 =	simm.s32 @p2 $0x1  }
0x17: {  	s4 =	simm.s32 $0x1BF5;
	[smem:$0x3FB9] =	sst s0  }
0x18: {  	s0 =	sld [smem:$0x3F9C];
	_ =	swait.ge [sflag:s4], $0x0  }
0x19: {  	s7 =	sld [smem:$0x3F9D]  }
0x1a: {  	s8 =	sadd.s32 $0xFFFFE003, lr  }
0x1b: {  	s9 =	sadd.s32 $0xFFFFFEF7, lr;
	s5 =	simm.s32 $0xFFFFFFFF;
	p2 =	slt.u32 s8, $0xFFFFF086  }
0x1c: {  	p1 =	slt.u32 s9, $0xF7A;
	s5 =	simm.s32 @!p2 $0x0  }
0x1d: {  	s5 =	simm.s32 @p1 $0x1;
	p0 =	seq.s32 s7, s2  }
0x1e: {  	s7 =	smul.u32 @!p0 $0xF7A, s2;
	p2 =	seq.s32 @!p0 s5, $0x0  }
0x1f: {  	s9 =	smul.u32 $0xF7A, s1;
	s8 =	simm.s32 @!p0 $0x1BF5;
	p2 =	por !p2, p0  }
0x20: {  	[sflag:s8] =	ssyncset.s32 @!p0 $0xFFFFF086;
	s6 =	sadd.s32 @!p0 s3, s7;
	s7 =	simm.s32 @!p0 $0x108  }
0x21: {  	s3 =	sadd.s32 s3, s9;
	s6 =	sadd.s32 @!p0 $0x88, s6;
	s7 =	simm.s32 @p2 $0x1082  }
0x22: {  	[simem:s7], [sflag:s8] =	dma.local @!p0 [hbm:s6], $0xF7A  }
0x23: {  	s9 =	sor.u32 $0xD0000000, s2;
	s6 =	simm.s32 $0x108;
	_ =	swait.ge @!p0 [sflag:s8], $0x0  }
0x24: {  	s3 =	sadd.s32 $0x88, s3;
	s6 =	simm.s32 @!p1 $0x1082;
	[sflag:s4] =	ssyncset.s32 $0xFFFFF086  }
0x25: {  	[simem:s6], [sflag:s4] =	dma.local [hbm:s3], $0xF7A  }
0x26: {  	[smem:$0x3F9D] =	sst s1;
	(tag) =	ssettag s2;
	_ =	strace s9  }
0x27: {  	s1 =	sld [smem:$0x3FAD]  }
0x28: {  	s2 =	sld [smem:$0x3FAE]  }
0x29: {  	s4 =	sld [smem:$0x3FB0]  }
0x2a: {  	p0 =	seq.s32 s5, $0x0;
	s5 =	sld [smem:$0x3FB1]  }
0x2b: {  	s6 =	sld [smem:$0x3FB2]  }
0x2c: {  	s7 =	sld [smem:$0x3FB3]  }
0x2d: {  	s3 =	simm.s32 $0x108;
	s8 =	sld [smem:$0x3FB4]  }
0x2e: {  	s3 =	simm.s32 @!p0 $0x1082;
	s9 =	sld [smem:$0x3FB5]  }
0x2f: {  	lr =	sadd.s32 s0, s3;
	s0 =	sld [smem:$0x3FAC]  }
0x30: {  	s3 =	sld [smem:$0x3FAF]  }
0x31: {  	[smem:$0x3FB8] =	sst s10  }
0x32: {  	s10 =	sld [smem:$0x3FB6];
	_ =	sdelay $0x3  }
0x33: {  	p0 =	seq.s32 s10, $0x1;
	s10 =	sld [smem:$0x3FB8];
	_ =	sdelay $0x3  }
0x34: {  	[smem:$0x3FB8] =	sst s10  }
0x35: {  	s10 =	sld [smem:$0x3FB7];
	_ =	sdelay $0x3  }
0x36: {  	p1 =	seq.s32 s10, $0x1;
	s10 =	sld [smem:$0x3FB8];
	_ =	sdelay $0x3  }
0x37: {  	[smem:$0x3FB8] =	sst s10  }
0x38: {  	s10 =	sld [smem:$0x3FB9]  }
0x39: {  	_ = 	snop;
	(pc) =	sbr.ind lr, $3  }
0x3a: {  	_ = 	snop  }
0x3b: {  	_ = 	snop  }
0x3c: {  	p2 =	seq.s32 s10, $0x1;
	s10 =	sld [smem:$0x3FB8]  }
0x3d: {  	_ =	shalt  }
0x3e: {  	_ =	shalt  }
0x3f: {  	_ =	shalt  }
0x40: {  	_ =	shalt  }
0x41: {  	_ =	shalt  }
0x42: {  	_ =	shalt  }
0x43: {  	_ =	shalt  }
0x44: {  	_ =	shalt  }
0x45: {  	_ =	shalt  }
0x46: {  	_ =	shalt  }
0x47: {  	_ =	shalt  }
0x48: {  	_ =	shalt  }
0x49: {  	_ =	shalt  }
0x4a: {  	_ =	shalt  }
0x4b: {  	_ =	shalt  }
0x4c: {  	_ =	shalt  }
0x4d: {  	_ =	shalt  }
0x4e: {  	_ =	shalt  }
0x4f: {  	_ =	shalt  }
0x50: {  	_ =	shalt  }
0x51: {  	_ =	shalt  }
0x52: {  	_ =	shalt  }
0x53: {  	_ =	shalt  }
0x54: {  	_ =	shalt  }
0x55: {  	_ =	shalt  }
0x56: {  	_ =	shalt  }
0x57: {  	_ =	shalt  }
0x58: {  	_ =	shalt  }
0x59: {  	_ =	shalt  }
0x5a: {  	_ =	shalt  }
0x5b: {  	_ =	shalt  }
0x5c: {  	_ =	shalt  }
0x5d: {  	_ =	shalt  }
0x5e: {  	_ =	shalt  }
0x5f: {  	_ =	shalt  }
0x60: {  	_ =	shalt  }
0x61: {  	_ =	shalt  }
0x62: {  	_ =	shalt  }
0x63: {  	_ =	shalt  }
0x64: {  	_ =	shalt  }
0x65: {  	_ =	shalt  }
0x66: {  	_ =	shalt  }
0x67: {  	_ =	shalt  }
0x68: {  	_ =	shalt  }
0x69: {  	_ =	shalt  }
0x6a: {  	_ =	shalt  }
0x6b: {  	_ =	shalt  }
0x6c: {  	_ =	shalt  }
0x6d: {  	_ =	shalt  }
0x6e: {  	_ =	shalt  }
0x6f: {  	_ =	shalt  }
0x70: {  	_ =	shalt  }
0x71: {  	_ =	shalt  }
0x72: {  	_ =	shalt  }
0x73: {  	_ =	shalt  }
0x74: {  	_ =	shalt  }
0x75: {  	_ =	shalt  }
0x76: {  	_ =	shalt  }
0x77: {  	_ =	shalt  }
0x78: {  	_ =	shalt  }
0x79: {  	_ =	shalt  }
0x7a: {  	_ =	shalt  }
0x7b: {  	_ =	shalt  }
0x7c: {  	_ =	shalt  }
0x7d: {  	_ =	shalt  }
0x7e: {  	_ =	shalt  }
0x7f: {  	_ =	shalt  }
0x80: {  	_ =	shalt  }
0x81: {  	_ =	shalt  }
0x82: {  	_ =	shalt  }
0x83: {  	_ =	shalt  }
0x84: {  	_ =	shalt  }
0x85: {  	_ =	shalt  }
0x86: {  	_ =	shalt  }
0x87: {  	_ =	shalt  }
.Lfunc_end0:
.L_simem_size_0:
called_computation_lowered:
.L_overlay_start_0:
0x88: {  	s2 =	sld [smem:$0x3FD9]  }
0x89: {  	s3 =	sld [smem:$0x3FFE];
	_ =	sdelay $0x1  }
0x8a: {  	s1 =	srdreg.scid  }
0x8b: {  	s0 =	sand.u32 $0x1, s1  }
0x8c: {  	s17 =	sshll.u32 s0, $0xA;
	s2 =	sadd.s32 s3, s2  }
0x8d: {  	s2 =	sadd.s32 s2, s17  }
0x8e: {  	[smem:$0x3FC4] =	sst s2  }
0x8f: {  	_ = 	snop  }
0x90: {  	s2 =	sld [smem:$0x3FD0];
	(tm) =	ssettm $0x1  }
0x91: {  	s18 =	sld [smem:$0x3FFB];
	_ =	sdelay $0x3  }
0x92: {  	_ =	strace s18  }
0x93: {  	s3 =	sld [smem:$0x3FFC];
	_ =	sdelay $0x3  }
0x94: {  	_ =	strace s3  }
0x95: {  	s3 =	sld [smem:$0x3FFD];
	_ =	sdelay $0x3  }
0x96: {  	_ =	strace s3  }
0x97: {  	_ =	strace $0x8FFFFFFF  }
0x98: {  	s19 =	sld [smem:$0x3FDB];
	_ =	sdelay $0x1  }
0x99: {  	s4 =	simm.s32 $_scs_section_size  }
0x9a: {  	s5 =	simm.s32 $_size__tile_overlayer_lowered;
	s6 =	simm.s32 $_tile_overlayer_lowered  }
0x9b: {  	s22 =	simm.s32 $0x1BFF;
	s21 =	sshll.u32 s6, $0x1;
	s3 =	sadd.s32 s4, s19  }
0x9c: {  	s7 =	simm.s32 $0x0;
	s20 =	sshll.u32 s5, $0x1;
	s5 =	sadd.s32 s21, s3  }
0x9d: {  	[timem:s7], [sflag:s22] =	dma.local [hbm:s5], s20  }
0x9e: {  	_ =	swait.ge [sflag:s22], s20  }
0x9f: {  	s4 =	ssub.s32 $0x0, s20;
	[sflag:s22] =	ssyncset.done $0x0  }
0xa0: {  	[sflag:s22] =	ssyncadd.s32 s4;
	_ =	sdelay $0x1  }
0xa1: {  	s23 =	simm.s32 $0x1B8B  }
0xa2: {  	_ =	swait.ge [sflag:s23], $0x1  }
0xa3: {  	[sflag:s23] =	ssyncset.done $0x0  }
0xa4: {  	s25 =	simm.s32 $0x1B8E;
	s24 =	sld [smem:$0x3FFE];
	[sflag:s23] =	ssyncadd.s32 $0xFFFFFFFF  }
0xa5: {  	s26 =	simm.s32 $execute0_lowered;
	[smem:$0x3FD2] =	sst s25  }
0xa6: {  	s5 =	sshll.u32 s26, $0x1;
	_ =	strace $0x80000046;
	[dreg:$0x1] =	wrdreg $0xFFFFFFFF  }
0xa7: {  	s28 =	simm.s32 $_size_execute0_lowered;
	s3 =	sadd.s32 s3, s5;
	[dreg:$0x0] =	wrdreg $0x0  }
0xa8: {  	s5 =	sshll.u32 s28, $0x1;
	[dreg:$0x2] =	wrdreg s3  }
0xa9: {  	[dreg:$0x3] =	wrdreg s5  }
0xaa: {  	[dreg:$0x4] =	wrdreg $0xC0  }
0xab: {  	_ =	task [dreg:s7], $0x5FFFF  }
0xac: {  	[dreg:$0x1] =	wrdreg $0xFFFFFFFF  }
0xad: {  	[dreg:$0x0] =	wrdreg $0x60  }
0xae: {  	[dreg:$0x2] =	wrdreg s24  }
0xaf: {  	[dreg:$0x3] =	wrdreg s2  }
0xb0: {  	[dreg:$0x4] =	wrdreg $0x0  }
0xb1: {  	[dreg:$0x5] =	wrdreg $0x9  }
0xb2: {  	_ =	task.clear_ibuf [dreg:s7], $0x6FFFF;
	_ =	strace $0x90000046  }
0xb3: {  	s29 =	simm.s32 $0x9;
	_ =	strace $0x80000048  }
0xb4: {  	_ =	swait.ge [sflag:s29], $0x1  }
0xb5: {  	[sflag:s29] =	ssyncadd.s32 $0xFFFFFFFF  }
0xb6: {  	_ =	strace $0x90000048  }
0xb7: {  	_ =	sfence  }
0xb8: {  	s30 =	sld [smem:$0x0];
	_ =	sdelay $0x2  }
0xb9: {  	s31 =	sshll.u32 s1, $0xD;
	s1 =	sshrl.u32 s1, $0x2  }
0xba: {  	s3 =	sand.u32 $0x4000, s31;
	s1 =	sadd.s32 s1, s30  }
0xbb: {  	s0 =	sor.u32 s3, s0;
	s1 =	sshll.u32 s1, $0x11  }
0xbc: {  	s0 =	sor.u32 s1, s0  }
0xbd: {  	s0 =	sadd.s32 $0x8F2B, s0  }
0xbe: {  	[sflag:s0] =	ssyncadd.remote.s32 $0x1  }
0xbf: {  	_ =	sfence.sel $0xFFFF  }
0xc0: {  	[dreg:$0x0] =	wrdreg $0xFFFFFFFF;
	(pc) =	sbr.abs _section_cstart, $3  }
0xc1: {  	[dreg:$0x1] =	wrdreg $0xFFFFFFFF  }
0xc2: {  	_ =	task.clear_ibuf [dreg:s7], $0x2FFFF;
	_ =	strace $0x9FFFFFFF  }
0xc3: {  	(tm) =	ssettm $0x7FFFFFFF  }
tec
execute0_lowered:
.L_overlay_start_1:
0x0: {  	(tag) =	ssettag $0x1  }
0x1: {  	s0 =	rddreg [dreg:$0x0]  }
0x2: {  	s1 =	srdreg.scid;
	s4 =	rddreg [dreg:$0x1]  }
0x3: {  	s11 =	stileid.u32;
	s5 =	rddreg [dreg:$0x2]  }
0x4: {  	s12 =	simm.s32 $0x9C00;
	s20 =	simm.s32 $0xDC00;
	s29 =	simm.s32 $0x11C00  }
0x5: {  	s13 =	simm.s32 $0x15C00;
	s14 =	simm.s32 $0x16400;
	s15 =	simm.s32 $0x16C00  }
0x6: {  	s16 =	simm.s32 $0x17400;
	s17 =	simm.s32 $0x17C00;
	s18 =	simm.s32 $0x18400  }
0x7: {  	s19 =	simm.s32 $0x18C00;
	s21 =	simm.s32 $0x19400;
	s22 =	simm.s32 $0x1  }
0x8: {  	s23 =	simm.s32 $0x3;
	s28 =	simm.s32 $0x6;
	s8 =	smul.u32 $0x3200, s11  }
0x9: {  	s1 =	sand.u32 $0x1, s1;
	s2 =	sshll.u32 s11, $0x1;
	s30 =	smul.u32 $0x64000, s11  }
0xa: {  	s24 =	sshll.u32 s11, $0xF;
	s3 =	sor.u32 s1, s2;
	s10 =	smul.u32 $0x1900, s1  }
0xb: {  	s2 =	simm.s32 $0x0;
	s7 =	ssub.s32 $0x2, s1;
	s1 =	smul.u32 $0x32000, s1  }
0xc: {  	s5 =	sadd.s32 s24, s5;
	s24 =	simm.s32 $0x4;
	s6 =	smul.u32 $0x380, s3  }
0xd: {  	[smem:$0x7FF] =	sst s2;
	s9 =	sshrl.u32 s7, $0x1;
	s3 =	sadd.s32 $0x7C00, s0  }
0xe: {  	s31 =	sadd.s32 s30, s4;
	_ =	strace $0x80000047;
	s7 =	ssub.s32 s7, s9  }
.Ltmp0:
0xf: {  	s25 =	sadd.s32 s10, s8;
	s9 =	sadd.s32 s1, s31;
	(pc) =	sbr.rel .LBB2_1-.Ltmp0, $4  }
0x10: {  	s1 =	simm.s32 $0x0;
	s0 =	sadd.s32 s6, s0;
	s26 =	sshll.u32 s25, $0x5  }
0x11: {  	v2 =	vlaneseq.u32;
	s6 =	sadd.s32 $0x4000, s5;
	s7 =	smax.u32 s7, $0x1;
	s0 =	sadd.s32 $0xC00, s0  }
0x12: {  	vm0 =	vmmov $0xffff;
	v1 =	vshrl.u32 v2, $0x3;
	s25 =	simm.s32 $0x2;
	[dreg:$0x4] =	wrdreg s0;
	s0 =	sadd.s32 s26, s4  }
0x13: {  	v0 =	vand.u32 $0x7, v2;
	v2 =	vor.u32 $0x8, v2;
	v1 =	vmul.u32 $0x8, v1;
	[dreg:$0x5] =	wrdreg s7;
	s26 =	simm.s32 $0x5;
	s8 =	sadd.s32 $0x1800, s0  }
.LBB2_6:
0x14: {  	_ =	swait.ge [sflag:s26], $0x800  }
0x15: {  	[sflag:s26] =	ssyncset.done $0x0  }
0x16: {  	[sflag:s26] =	ssyncadd.s32 $0xFFFFF800  }
0x17: {  	_ =	swait.ge [sflag:s28], $0x800  }
0x18: {  	s1 =	rddreg [dreg:$0x6]  }
0x19: {  	s0 =	rddreg [dreg:$0x5];
	s1 =	sadd.s32 $0x1, s1  }
0x1a: {  	p0 =	sne.s32 s1, s0  }
.Ltmp1:
0x1b: {  	_ = 	snop;
	(pc) =	sbr.rel @!p0 .LBB2_7-.Ltmp1, $3  }
0x1c: {  	_ =	sdelay $0x1  }
0x1d: {  	[sflag:s28] =	ssyncset.done $0x0  }
0x1e: {  	[sflag:s28] =	ssyncadd.s32 $0xFFFFF800  }
.LBB2_1:
0x1f: {  	[dreg:$0x6] =	wrdreg s1  }
0x20: {  	s0 =	rddreg [dreg:$0x4];
	s4 =	simm.s32 $0x8000;
	s7 =	simm.s32 $0x7  }
0x21: {  	[tilespmem:s4], [sflag:$0x7] =	stream.linear.gather [hbm4b:s0+s2], $0x1900, $0x38;
	[tilespmem:$0x19C00] =	vst v63  }
0x22: {  	_ =	swait.ge [sflag:s7], $0x1900  }
0x23: {  	[sflag:s7] =	ssyncset.done $0x0  }
0x24: {  	[sflag:s7] =	ssyncadd.s32 $0xFFFFE700  }
0x25: {  	v3 =	vld [tilespmem:$0x8000];
	_ =	sdelay $0x4  }
0x26: {  	v4 =	vshll.u32 v3, $0x1  }
0x27: {  	v3 =	vand.u32 $0x7, v3;
	v4 =	vand.u32 $0xFFFFFFF0, v4  }
0x28: {  	v3 =	vor.u32 v3, v4  }
0x29: {  	v4 =	vperm.xlane v3, v0;
	_ =	sdelay $0x1  }
0x2a: {  	v3 =	vperm.xlane v3, v2;
	v4 =	vadd.s32 v1, v4;
	_ =	sdelay $0x1  }
0x2b: {  	v3 =	vadd.s32 v1, v3;
	_ =	sdelay $0x2  }
0x2c: {  	[tilespmem:s12], [sflag:$0x1] =	stream.indirect_vreg.gather [hbm4b:s3+s2], $0x80, v4, vm0, $0xb8;
	[tilespmem:$0x19C00] =	vst v63  }
0x2d: {  	s10 =	simm.s32 $0xA400  }
0x2e: {  	[tilespmem:s10], [sflag:$0x1] =	stream.indirect_vreg.gather [hbm4b:s3+s2], $0x80, v3, vm0, $0xb8;
	[tilespmem:$0x19C00] =	vst v63  }
0x2f: {  	v3 =	vld [tilespmem:$0x8010];
	_ =	sdelay $0x4  }
0x30: {  	v49 =	vshll.u32 v3, $0x1  }
0x31: {  	v3 =	vand.u32 $0x7, v3;
	v4 =	vand.u32 $0xFFFFFFF0, v49  }
0x32: {  	v3 =	vor.u32 v3, v4  }
0x33: {  	v4 =	vperm.xlane v3, v0;
	_ =	sdelay $0x1  }
0x34: {  	v3 =	vperm.xlane v3, v2;
	v4 =	vadd.s32 v1, v4;
	_ =	sdelay $0x1  }
0x35: {  	v3 =	vadd.s32 v1, v3;
	_ =	sdelay $0x1  }
0x36: {  	s11 =	simm.s32 $0xAC00  }
0x37: {  	[tilespmem:s11], [sflag:$0x1] =	stream.indirect_vreg.gather [hbm4b:s3+s2], $0x80, v4, vm0, $0xb8;
	[tilespmem:$0x19C00] =	vst v63  }
0x38: {  	s31 =	simm.s32 $0xB400  }
0x39: {  	[tilespmem:s31], [sflag:$0x1] =	stream.indirect_vreg.gather [hbm4b:s3+s2], $0x80, v3, vm0, $0xb8;
	[tilespmem:$0x19C00] =	vst v63  }
0x3a: {  	v3 =	vld [tilespmem:$0x8020];
	_ =	sdelay $0x4  }
0x3b: {  	v50 =	vshll.u32 v3, $0x1  }
0x3c: {  	v3 =	vand.u32 $0x7, v3;
	v4 =	vand.u32 $0xFFFFFFF0, v50  }
0x3d: {  	v3 =	vor.u32 v3, v4  }
0x3e: {  	v4 =	vperm.xlane v3, v0;
	_ =	sdelay $0x1  }
0x3f: {  	v3 =	vperm.xlane v3, v2;
	v4 =	vadd.s32 v1, v4;
	_ =	sdelay $0x1  }
0x40: {  	v3 =	vadd.s32 v1, v3;
	_ =	sdelay $0x1  }
0x41: {  	s1 =	simm.s32 $0xBC00  }
0x42: {  	[tilespmem:s1], [sflag:$0x1] =	stream.indirect_vreg.gather [hbm4b:s3+s2], $0x80, v4, vm0, $0xb8;
	[tilespmem:$0x19C00] =	vst v63  }
0x43: {  	s4 =	simm.s32 $0xC400  }
0x44: {  	[tilespmem:s4], [sflag:$0x1] =	stream.indirect_vreg.gather [hbm4b:s3+s2], $0x80, v3, vm0, $0xb8;
	[tilespmem:$0x19C00] =	vst v63  }
0x45: {  	v3 =	vld [tilespmem:$0x8030];
	_ =	sdelay $0x4  }
0x46: {  	v51 =	vshll.u32 v3, $0x1  }
0x47: {  	v3 =	vand.u32 $0x7, v3;
	v4 =	vand.u32 $0xFFFFFFF0, v51  }
0x48: {  	v3 =	vor.u32 v3, v4  }
0x49: {  	v4 =	vperm.xlane v3, v0;
	_ =	sdelay $0x1  }
0x4a: {  	v3 =	vperm.xlane v3, v2;
	v4 =	vadd.s32 v1, v4;
	_ =	sdelay $0x1  }
0x4b: {  	v3 =	vadd.s32 v1, v3;
	_ =	sdelay $0x1  }
0x4c: {  	s7 =	simm.s32 $0xCC00  }
0x4d: {  	[tilespmem:s7], [sflag:$0x1] =	stream.indirect_vreg.gather [hbm4b:s3+s2], $0x80, v4, vm0, $0xb8;
	[tilespmem:$0x19C00] =	vst v63  }
0x4e: {  	s10 =	simm.s32 $0xD400  }
0x4f: {  	[tilespmem:s10], [sflag:$0x1] =	stream.indirect_vreg.gather [hbm4b:s3+s2], $0x80, v3, vm0, $0xb8;
	[tilespmem:$0x19C00] =	vst v63  }
0x50: {  	v3 =	vld [tilespmem:$0x8040];
	_ =	sdelay $0x4  }
0x51: {  	v52 =	vshll.u32 v3, $0x1  }
0x52: {  	v3 =	vand.u32 $0x7, v3;
	v4 =	vand.u32 $0xFFFFFFF0, v52  }
0x53: {  	v3 =	vor.u32 v3, v4  }
0x54: {  	v4 =	vperm.xlane v3, v0;
	_ =	sdelay $0x1  }
0x55: {  	v3 =	vperm.xlane v3, v2;
	v4 =	vadd.s32 v1, v4;
	_ =	sdelay $0x1  }
0x56: {  	v3 =	vadd.s32 v1, v3;
	_ =	sdelay $0x2  }
0x57: {  	[tilespmem:s20], [sflag:$0x1] =	stream.indirect_vreg.gather [hbm4b:s3+s2], $0x80, v4, vm0, $0xb8;
	[tilespmem:$0x19C00] =	vst v63  }
0x58: {  	s11 =	simm.s32 $0xE400  }
0x59: {  	[tilespmem:s11], [sflag:$0x1] =	stream.indirect_vreg.gather [hbm4b:s3+s2], $0x80, v3, vm0, $0xb8;
	[tilespmem:$0x19C00] =	vst v63  }
0x5a: {  	v3 =	vld [tilespmem:$0x8050];
	_ =	sdelay $0x4  }
0x5b: {  	v53 =	vshll.u32 v3, $0x1  }
0x5c: {  	v3 =	vand.u32 $0x7, v3;
	v4 =	vand.u32 $0xFFFFFFF0, v53  }
0x5d: {  	v3 =	vor.u32 v3, v4  }
0x5e: {  	v4 =	vperm.xlane v3, v0;
	_ =	sdelay $0x1  }
0x5f: {  	v3 =	vperm.xlane v3, v2;
	v4 =	vadd.s32 v1, v4;
	_ =	sdelay $0x1  }
0x60: {  	v3 =	vadd.s32 v1, v3;
	_ =	sdelay $0x1  }
0x61: {  	s31 =	simm.s32 $0xEC00  }
0x62: {  	[tilespmem:s31], [sflag:$0x1] =	stream.indirect_vreg.gather [hbm4b:s3+s2], $0x80, v4, vm0, $0xb8;
	[tilespmem:$0x19C00] =	vst v63  }
0x63: {  	s1 =	simm.s32 $0xF400  }
0x64: {  	[tilespmem:s1], [sflag:$0x1] =	stream.indirect_vreg.gather [hbm4b:s3+s2], $0x80, v3, vm0, $0xb8;
	[tilespmem:$0x19C00] =	vst v63  }
0x65: {  	v3 =	vld [tilespmem:$0x8060];
	_ =	sdelay $0x4  }
0x66: {  	v54 =	vshll.u32 v3, $0x1  }
0x67: {  	v3 =	vand.u32 $0x7, v3;
	v4 =	vand.u32 $0xFFFFFFF0, v54  }
0x68: {  	v3 =	vor.u32 v3, v4  }
0x69: {  	v4 =	vperm.xlane v3, v0;
	_ =	sdelay $0x1  }
0x6a: {  	v3 =	vperm.xlane v3, v2;
	v4 =	vadd.s32 v1, v4;
	_ =	sdelay $0x1  }
0x6b: {  	v3 =	vadd.s32 v1, v3;
	_ =	sdelay $0x1  }
0x6c: {  	s4 =	simm.s32 $0xFC00  }
0x6d: {  	[tilespmem:s4], [sflag:$0x1] =	stream.indirect_vreg.gather [hbm4b:s3+s2], $0x80, v4, vm0, $0xb8;
	[tilespmem:$0x19C00] =	vst v63  }
0x6e: {  	s7 =	simm.s32 $0x10400  }
0x6f: {  	[tilespmem:s7], [sflag:$0x1] =	stream.indirect_vreg.gather [hbm4b:s3+s2], $0x80, v3, vm0, $0xb8;
	[tilespmem:$0x19C00] =	vst v63  }
0x70: {  	v3 =	vld [tilespmem:$0x8070];
	_ =	sdelay $0x4  }
0x71: {  	v55 =	vshll.u32 v3, $0x1  }
0x72: {  	v3 =	vand.u32 $0x7, v3;
	v4 =	vand.u32 $0xFFFFFFF0, v55  }
0x73: {  	v3 =	vor.u32 v3, v4  }
0x74: {  	v4 =	vperm.xlane v3, v0;
	_ =	sdelay $0x1  }
0x75: {  	v3 =	vperm.xlane v3, v2;
	v4 =	vadd.s32 v1, v4;
	_ =	sdelay $0x1  }
0x76: {  	v3 =	vadd.s32 v1, v3;
	_ =	sdelay $0x1  }
0x77: {  	s10 =	simm.s32 $0x10C00  }
0x78: {  	[tilespmem:s10], [sflag:$0x1] =	stream.indirect_vreg.gather [hbm4b:s3+s2], $0x80, v4, vm0, $0xb8;
	[tilespmem:$0x19C00] =	vst v63  }
0x79: {  	s11 =	simm.s32 $0x11400  }
0x7a: {  	[tilespmem:s11], [sflag:$0x1] =	stream.indirect_vreg.gather [hbm4b:s3+s2], $0x80, v3, vm0, $0xb8;
	[tilespmem:$0x19C00] =	vst v63  }
0x7b: {  	v3 =	vld [tilespmem:$0x8080];
	_ =	sdelay $0x4  }
0x7c: {  	v56 =	vshll.u32 v3, $0x1  }
0x7d: {  	v3 =	vand.u32 $0x7, v3;
	v4 =	vand.u32 $0xFFFFFFF0, v56  }
0x7e: {  	v3 =	vor.u32 v3, v4  }
0x7f: {  	v4 =	vperm.xlane v3, v0;
	_ =	sdelay $0x1  }
0x80: {  	v3 =	vperm.xlane v3, v2;
	v4 =	vadd.s32 v1, v4;
	_ =	sdelay $0x1  }
0x81: {  	v3 =	vadd.s32 v1, v3;
	_ =	sdelay $0x2  }
0x82: {  	[tilespmem:s29], [sflag:$0x2] =	stream.indirect_vreg.gather [hbm4b:s3+s2], $0x80, v4, vm0, $0xb8;
	[tilespmem:$0x19C00] =	vst v63  }
0x83: {  	s31 =	simm.s32 $0x12400  }
0x84: {  	[tilespmem:s31], [sflag:$0x2] =	stream.indirect_vreg.gather [hbm4b:s3+s2], $0x80, v3, vm0, $0xb8;
	[tilespmem:$0x19C00] =	vst v63  }
0x85: {  	v3 =	vld [tilespmem:$0x8090];
	_ =	sdelay $0x4  }
0x86: {  	v57 =	vshll.u32 v3, $0x1  }
0x87: {  	v3 =	vand.u32 $0x7, v3;
	v4 =	vand.u32 $0xFFFFFFF0, v57  }
0x88: {  	v3 =	vor.u32 v3, v4  }
0x89: {  	v4 =	vperm.xlane v3, v0;
	_ =	sdelay $0x1  }
0x8a: {  	v3 =	vperm.xlane v3, v2;
	v4 =	vadd.s32 v1, v4;
	_ =	sdelay $0x1  }
0x8b: {  	v3 =	vadd.s32 v1, v3;
	_ =	sdelay $0x1  }
0x8c: {  	s1 =	simm.s32 $0x12C00  }
0x8d: {  	[tilespmem:s1], [sflag:$0x2] =	stream.indirect_vreg.gather [hbm4b:s3+s2], $0x80, v4, vm0, $0xb8;
	[tilespmem:$0x19C00] =	vst v63  }
0x8e: {  	s4 =	simm.s32 $0x13400  }
0x8f: {  	[tilespmem:s4], [sflag:$0x2] =	stream.indirect_vreg.gather [hbm4b:s3+s2], $0x80, v3, vm0, $0xb8;
	[tilespmem:$0x19C00] =	vst v63  }
0x90: {  	v3 =	vld [tilespmem:$0x80A0];
	_ =	sdelay $0x4  }
0x91: {  	v58 =	vshll.u32 v3, $0x1  }
0x92: {  	v3 =	vand.u32 $0x7, v3;
	v4 =	vand.u32 $0xFFFFFFF0, v58  }
0x93: {  	v3 =	vor.u32 v3, v4  }
0x94: {  	v4 =	vperm.xlane v3, v0;
	_ =	sdelay $0x1  }
0x95: {  	v3 =	vperm.xlane v3, v2;
	v4 =	vadd.s32 v1, v4;
	_ =	sdelay $0x1  }
0x96: {  	v3 =	vadd.s32 v1, v3;
	_ =	sdelay $0x1  }
0x97: {  	s7 =	simm.s32 $0x13C00  }
0x98: {  	[tilespmem:s7], [sflag:$0x2] =	stream.indirect_vreg.gather [hbm4b:s3+s2], $0x80, v4, vm0, $0xb8;
	[tilespmem:$0x19C00] =	vst v63  }
0x99: {  	s10 =	simm.s32 $0x14400  }
0x9a: {  	[tilespmem:s10], [sflag:$0x2] =	stream.indirect_vreg.gather [hbm4b:s3+s2], $0x80, v3, vm0, $0xb8;
	[tilespmem:$0x19C00] =	vst v63  }
0x9b: {  	v3 =	vld [tilespmem:$0x80B0];
	_ =	sdelay $0x4  }
0x9c: {  	v59 =	vshll.u32 v3, $0x1  }
0x9d: {  	v3 =	vand.u32 $0x7, v3;
	v4 =	vand.u32 $0xFFFFFFF0, v59  }
0x9e: {  	v3 =	vor.u32 v3, v4  }
0x9f: {  	v4 =	vperm.xlane v3, v0;
	_ =	sdelay $0x1  }
0xa0: {  	v3 =	vperm.xlane v3, v2;
	v4 =	vadd.s32 v1, v4;
	_ =	sdelay $0x1  }
0xa1: {  	v3 =	vadd.s32 v1, v3;
	_ =	sdelay $0x1  }
0xa2: {  	s11 =	simm.s32 $0x14C00  }
0xa3: {  	[tilespmem:s11], [sflag:$0x2] =	stream.indirect_vreg.gather [hbm4b:s3+s2], $0x80, v4, vm0, $0xb8;
	[tilespmem:$0x19C00] =	vst v63  }
0xa4: {  	s31 =	simm.s32 $0x15400  }
0xa5: {  	[tilespmem:s31], [sflag:$0x2] =	stream.indirect_vreg.gather [hbm4b:s3+s2], $0x80, v3, vm0, $0xb8;
	[tilespmem:$0x19C00] =	vst v63  }
0xa6: {  	v3 =	vld [tilespmem:$0x80C0];
	_ =	sdelay $0x4  }
0xa7: {  	v60 =	vshll.u32 v3, $0x1  }
0xa8: {  	v3 =	vand.u32 $0x7, v3;
	v4 =	vand.u32 $0xFFFFFFF0, v60  }
0xa9: {  	v3 =	vor.u32 v3, v4  }
0xaa: {  	v4 =	vperm.xlane v3, v0;
	_ =	sdelay $0x1  }
0xab: {  	v3 =	vperm.xlane v3, v2;
	v4 =	vadd.s32 v1, v4;
	_ =	sdelay $0x1  }
0xac: {  	v3 =	vadd.s32 v1, v3;
	_ =	sdelay $0x2  }
0xad: {  	[tilespmem:s13], [sflag:$0x2] =	stream.indirect_vreg.gather [hbm4b:s3+s2], $0x80, v4, vm0, $0xb8;
	[tilespmem:$0x19C00] =	vst v63  }
0xae: {  	_ = 	snop  }
0xaf: {  	[tilespmem:s14], [sflag:$0x2] =	stream.indirect_vreg.gather [hbm4b:s3+s2], $0x80, v3, vm0, $0xb8;
	[tilespmem:$0x19C00] =	vst v63  }
0xb0: {  	v3 =	vld [tilespmem:$0x80D0];
	_ =	sdelay $0x4  }
0xb1: {  	v61 =	vshll.u32 v3, $0x1  }
0xb2: {  	v3 =	vand.u32 $0x7, v3;
	v4 =	vand.u32 $0xFFFFFFF0, v61  }
0xb3: {  	v3 =	vor.u32 v3, v4  }
0xb4: {  	v4 =	vperm.xlane v3, v0;
	_ =	sdelay $0x1  }
0xb5: {  	v3 =	vperm.xlane v3, v2;
	v4 =	vadd.s32 v1, v4;
	_ =	sdelay $0x1  }
0xb6: {  	v3 =	vadd.s32 v1, v3;
	_ =	sdelay $0x2  }
0xb7: {  	[tilespmem:s15], [sflag:$0x2] =	stream.indirect_vreg.gather [hbm4b:s3+s2], $0x80, v4, vm0, $0xb8;
	[tilespmem:$0x19C00] =	vst v63  }
0xb8: {  	_ = 	snop  }
0xb9: {  	[tilespmem:s16], [sflag:$0x2] =	stream.indirect_vreg.gather [hbm4b:s3+s2], $0x80, v3, vm0, $0xb8;
	[tilespmem:$0x19C00] =	vst v63  }
0xba: {  	v3 =	vld [tilespmem:$0x80E0];
	_ =	sdelay $0x4  }
0xbb: {  	v62 =	vshll.u32 v3, $0x1  }
0xbc: {  	v3 =	vand.u32 $0x7, v3;
	v4 =	vand.u32 $0xFFFFFFF0, v62  }
0xbd: {  	v3 =	vor.u32 v3, v4  }
0xbe: {  	v4 =	vperm.xlane v3, v0;
	_ =	sdelay $0x1  }
0xbf: {  	v3 =	vperm.xlane v3, v2;
	v4 =	vadd.s32 v1, v4;
	_ =	sdelay $0x1  }
0xc0: {  	v3 =	vadd.s32 v1, v3;
	_ =	sdelay $0x2  }
0xc1: {  	[tilespmem:s17], [sflag:$0x2] =	stream.indirect_vreg.gather [hbm4b:s3+s2], $0x80, v4, vm0, $0xb8;
	[tilespmem:$0x19C00] =	vst v63  }
0xc2: {  	_ = 	snop  }
0xc3: {  	[tilespmem:s18], [sflag:$0x2] =	stream.indirect_vreg.gather [hbm4b:s3+s2], $0x80, v3, vm0, $0xb8;
	[tilespmem:$0x19C00] =	vst v63  }
0xc4: {  	v3 =	vld [tilespmem:$0x80F0];
	_ =	sdelay $0x4  }
0xc5: {  	v63 =	vshll.u32 v3, $0x1  }
0xc6: {  	v3 =	vand.u32 $0x7, v3;
	v4 =	vand.u32 $0xFFFFFFF0, v63  }
0xc7: {  	v3 =	vor.u32 v3, v4  }
0xc8: {  	v4 =	vperm.xlane v3, v0;
	_ =	sdelay $0x1  }
0xc9: {  	v3 =	vperm.xlane v3, v2;
	v4 =	vadd.s32 v1, v4;
	_ =	sdelay $0x1  }
0xca: {  	v3 =	vadd.s32 v1, v3;
	_ =	sdelay $0x2  }
0xcb: {  	[tilespmem:s19], [sflag:$0x2] =	stream.indirect_vreg.gather [hbm4b:s3+s2], $0x80, v4, vm0, $0xb8;
	[tilespmem:$0x19C00] =	vst v63  }
0xcc: {  	s30 =	simm.s32 $0x0;
	s0 =	simm.s32 $0x81F0  }
0xcd: {  	[tilespmem:s21], [sflag:$0x2] =	stream.indirect_vreg.gather [hbm4b:s3+s2], $0x80, v3, vm0, $0xb8;
	[tilespmem:$0x19C00] =	vst v63  }
.LBB2_2:
0xce: {  	_ =	swait.ge [sflag:s22], $0x8000  }
0xcf: {  	p0 =	seq.s32 s30, $0x0;
	[sflag:s22] =	ssyncset.done $0x0  }
0xd0: {  	s1 =	simm.s32 @!p0 $0x5;
	[sflag:s22] =	ssyncadd.s32 $0xFFFF8000  }
0xd1: {  	_ =	swait.ge @!p0 [sflag:s1], $0x800  }
0xd2: {  	[sflag:s1] =	ssyncset.done @!p0 $0x0  }
0xd3: {  	[sflag:s1] =	ssyncadd.s32 @!p0 $0xFFFFF800  }
0xd4: {  	[spmem:s5] =	stream.linear.scatter [tilespmem:s12], [sflag:$0x3], $0x4000, $0x38;
	[tilespmem:$0x19C00] =	vst v63  }
0xd5: {  	s11 =	stileid.u32;
	s10 =	sshrl.u32 s5, $0x3;
	_ =	swait.ge [sflag:s23], $0x4000  }
0xd6: {  	s4 =	sshll.u32 s11, $0x6;
	s7 =	simm.s32 @!p0 $0x6;
	[sflag:s23] =	ssyncset.done $0x0  }
0xd7: {  	s31 =	sor.u32 $0x1C05, s4;
	s1 =	sadd.s32 s30, s9;
	[sflag:s23] =	ssyncadd.s32 $0xFFFFC000  }
0xd8: {  	[hbm:s1], [sflag:s31] =	dma.local [spmem:s10], $0x800  }
0xd9: {  	_ =	swait.ge @!p0 [sflag:s7], $0x800  }
0xda: {  	[sflag:s7] =	ssyncset.done @!p0 $0x0  }
0xdb: {  	[sflag:s7] =	ssyncadd.s32 @!p0 $0xFFFFF800;
	p0 =	seq.s32 s30, $0x30000  }
0xdc: {  	[spmem:s6] =	stream.linear.scatter [tilespmem:s20], [sflag:$0x4], $0x4000, $0x38;
	[tilespmem:$0x19C00] =	vst v63  }
.Ltmp2:
0xdd: {  	_ = 	snop;
	(pc) =	sbr.rel @p0 .LBB2_4-.Ltmp2, $4  }
0xde: {  	_ =	swait.ge [sflag:s24], $0x4000  }
0xdf: {  	s4 =	sor.u32 $0x1C06, s4;
	[sflag:s24] =	ssyncset.done $0x0  }
0xe0: {  	s11 =	sadd.s32 $0x800, s1;
	s7 =	sshrl.u32 s6, $0x3;
	[sflag:s24] =	ssyncadd.s32 $0xFFFFC000  }
0xe1: {  	[hbm:s11], [sflag:s4] =	dma.local [spmem:s7], $0x800  }
0xe2: {  	v3 =	vld [tilespmem:s0+$0xFFFFFF10];
	_ =	sdelay $0x4  }
0xe3: {  	v4 =	vshll.u32 v3, $0x1  }
0xe4: {  	v3 =	vand.u32 $0x7, v3;
	v4 =	vand.u32 $0xFFFFFFF0, v4  }
0xe5: {  	v3 =	vor.u32 v3, v4  }
0xe6: {  	v4 =	vperm.xlane v3, v0;
	_ =	sdelay $0x1  }
0xe7: {  	v3 =	vperm.xlane v3, v2;
	v4 =	vadd.s32 v1, v4;
	_ =	sdelay $0x1  }
0xe8: {  	v3 =	vadd.s32 v1, v3;
	_ =	sdelay $0x2  }
0xe9: {  	[tilespmem:s12], [sflag:$0x1] =	stream.indirect_vreg.gather [hbm4b:s3+s2], $0x80, v4, vm0, $0xb8;
	[tilespmem:$0x19C00] =	vst v63  }
0xea: {  	s11 =	simm.s32 $0xA400  }
0xeb: {  	[tilespmem:s11], [sflag:$0x1] =	stream.indirect_vreg.gather [hbm4b:s3+s2], $0x80, v3, vm0, $0xb8;
	[tilespmem:$0x19C00] =	vst v63  }
0xec: {  	v3 =	vld [tilespmem:s0+$0xFFFFFF20];
	_ =	sdelay $0x4  }
0xed: {  	v57 =	vshll.u32 v3, $0x1  }
0xee: {  	v3 =	vand.u32 $0x7, v3;
	v4 =	vand.u32 $0xFFFFFFF0, v57  }
0xef: {  	v3 =	vor.u32 v3, v4  }
0xf0: {  	v4 =	vperm.xlane v3, v0;
	_ =	sdelay $0x1  }
0xf1: {  	v3 =	vperm.xlane v3, v2;
	v4 =	vadd.s32 v1, v4;
	_ =	sdelay $0x1  }
0xf2: {  	v3 =	vadd.s32 v1, v3;
	_ =	sdelay $0x1  }
0xf3: {  	s11 =	simm.s32 $0xAC00  }
0xf4: {  	[tilespmem:s11], [sflag:$0x1] =	stream.indirect_vreg.gather [hbm4b:s3+s2], $0x80, v4, vm0, $0xb8;
	[tilespmem:$0x19C00] =	vst v63  }
0xf5: {  	s11 =	simm.s32 $0xB400  }
0xf6: {  	[tilespmem:s11], [sflag:$0x1] =	stream.indirect_vreg.gather [hbm4b:s3+s2], $0x80, v3, vm0, $0xb8;
	[tilespmem:$0x19C00] =	vst v63  }
0xf7: {  	v3 =	vld [tilespmem:s0+$0xFFFFFF30];
	_ =	sdelay $0x4  }
0xf8: {  	v58 =	vshll.u32 v3, $0x1  }
0xf9: {  	v3 =	vand.u32 $0x7, v3;
	v4 =	vand.u32 $0xFFFFFFF0, v58  }
0xfa: {  	v3 =	vor.u32 v3, v4  }
0xfb: {  	v4 =	vperm.xlane v3, v0;
	_ =	sdelay $0x1  }
0xfc: {  	v3 =	vperm.xlane v3, v2;
	v4 =	vadd.s32 v1, v4;
	_ =	sdelay $0x1  }
0xfd: {  	v3 =	vadd.s32 v1, v3;
	_ =	sdelay $0x1  }
0xfe: {  	s11 =	simm.s32 $0xBC00  }
0xff: {  	[tilespmem:s11], [sflag:$0x1] =	stream.indirect_vreg.gather [hbm4b:s3+s2], $0x80, v4, vm0, $0xb8;
	[tilespmem:$0x19C00] =	vst v63  }
0x100: {  	s11 =	simm.s32 $0xC400  }
0x101: {  	[tilespmem:s11], [sflag:$0x1] =	stream.indirect_vreg.gather [hbm4b:s3+s2], $0x80, v3, vm0, $0xb8;
	[tilespmem:$0x19C00] =	vst v63  }
0x102: {  	v3 =	vld [tilespmem:s0+$0xFFFFFF40];
	_ =	sdelay $0x4  }
0x103: {  	v59 =	vshll.u32 v3, $0x1  }
0x104: {  	v3 =	vand.u32 $0x7, v3;
	v4 =	vand.u32 $0xFFFFFFF0, v59  }
0x105: {  	v3 =	vor.u32 v3, v4  }
0x106: {  	v4 =	vperm.xlane v3, v0;
	_ =	sdelay $0x1  }
0x107: {  	v3 =	vperm.xlane v3, v2;
	v4 =	vadd.s32 v1, v4;
	_ =	sdelay $0x1  }
0x108: {  	v3 =	vadd.s32 v1, v3;
	_ =	sdelay $0x1  }
0x109: {  	s11 =	simm.s32 $0xCC00  }
0x10a: {  	[tilespmem:s11], [sflag:$0x1] =	stream.indirect_vreg.gather [hbm4b:s3+s2], $0x80, v4, vm0, $0xb8;
	[tilespmem:$0x19C00] =	vst v63  }
0x10b: {  	s11 =	simm.s32 $0xD400  }
0x10c: {  	[tilespmem:s11], [sflag:$0x1] =	stream.indirect_vreg.gather [hbm4b:s3+s2], $0x80, v3, vm0, $0xb8;
	[tilespmem:$0x19C00] =	vst v63  }
0x10d: {  	v3 =	vld [tilespmem:s0+$0xFFFFFF50];
	_ =	sdelay $0x4  }
0x10e: {  	v60 =	vshll.u32 v3, $0x1  }
0x10f: {  	v3 =	vand.u32 $0x7, v3;
	v4 =	vand.u32 $0xFFFFFFF0, v60  }
0x110: {  	v3 =	vor.u32 v3, v4  }
0x111: {  	v4 =	vperm.xlane v3, v0;
	_ =	sdelay $0x1  }
0x112: {  	v3 =	vperm.xlane v3, v2;
	v4 =	vadd.s32 v1, v4;
	_ =	sdelay $0x1  }
0x113: {  	v3 =	vadd.s32 v1, v3;
	_ =	sdelay $0x2  }
0x114: {  	[tilespmem:s20], [sflag:$0x1] =	stream.indirect_vreg.gather [hbm4b:s3+s2], $0x80, v4, vm0, $0xb8;
	[tilespmem:$0x19C00] =	vst v63  }
0x115: {  	s11 =	simm.s32 $0xE400  }
0x116: {  	[tilespmem:s11], [sflag:$0x1] =	stream.indirect_vreg.gather [hbm4b:s3+s2], $0x80, v3, vm0, $0xb8;
	[tilespmem:$0x19C00] =	vst v63  }
0x117: {  	v3 =	vld [tilespmem:s0+$0xFFFFFF60];
	_ =	sdelay $0x4  }
0x118: {  	v61 =	vshll.u32 v3, $0x1  }
0x119: {  	v3 =	vand.u32 $0x7, v3;
	v4 =	vand.u32 $0xFFFFFFF0, v61  }
0x11a: {  	v3 =	vor.u32 v3, v4  }
0x11b: {  	v4 =	vperm.xlane v3, v0;
	_ =	sdelay $0x1  }
0x11c: {  	v3 =	vperm.xlane v3, v2;
	v4 =	vadd.s32 v1, v4;
	_ =	sdelay $0x1  }
0x11d: {  	v3 =	vadd.s32 v1, v3;
	_ =	sdelay $0x1  }
0x11e: {  	s11 =	simm.s32 $0xEC00  }
0x11f: {  	[tilespmem:s11], [sflag:$0x1] =	stream.indirect_vreg.gather [hbm4b:s3+s2], $0x80, v4, vm0, $0xb8;
	[tilespmem:$0x19C00] =	vst v63  }
0x120: {  	s11 =	simm.s32 $0xF400  }
0x121: {  	[tilespmem:s11], [sflag:$0x1] =	stream.indirect_vreg.gather [hbm4b:s3+s2], $0x80, v3, vm0, $0xb8;
	[tilespmem:$0x19C00] =	vst v63  }
0x122: {  	v3 =	vld [tilespmem:s0+$0xFFFFFF70];
	_ =	sdelay $0x4  }
0x123: {  	v62 =	vshll.u32 v3, $0x1  }
0x124: {  	v3 =	vand.u32 $0x7, v3;
	v4 =	vand.u32 $0xFFFFFFF0, v62  }
0x125: {  	v3 =	vor.u32 v3, v4  }
0x126: {  	v4 =	vperm.xlane v3, v0;
	_ =	sdelay $0x1  }
0x127: {  	v3 =	vperm.xlane v3, v2;
	v4 =	vadd.s32 v1, v4;
	_ =	sdelay $0x1  }
0x128: {  	v3 =	vadd.s32 v1, v3;
	_ =	sdelay $0x1  }
0x129: {  	s11 =	simm.s32 $0xFC00  }
0x12a: {  	[tilespmem:s11], [sflag:$0x1] =	stream.indirect_vreg.gather [hbm4b:s3+s2], $0x80, v4, vm0, $0xb8;
	[tilespmem:$0x19C00] =	vst v63  }
0x12b: {  	s11 =	simm.s32 $0x10400  }
0x12c: {  	[tilespmem:s11], [sflag:$0x1] =	stream.indirect_vreg.gather [hbm4b:s3+s2], $0x80, v3, vm0, $0xb8;
	[tilespmem:$0x19C00] =	vst v63  }
0x12d: {  	v3 =	vld [tilespmem:s0+$0xFFFFFF80];
	_ =	sdelay $0x4  }
0x12e: {  	v63 =	vshll.u32 v3, $0x1  }
0x12f: {  	v3 =	vand.u32 $0x7, v3;
	v4 =	vand.u32 $0xFFFFFFF0, v63  }
0x130: {  	v3 =	vor.u32 v3, v4  }
0x131: {  	v4 =	vperm.xlane v3, v0;
	_ =	sdelay $0x1  }
0x132: {  	v3 =	vperm.xlane v3, v2;
	v4 =	vadd.s32 v1, v4;
	_ =	sdelay $0x1  }
0x133: {  	v3 =	vadd.s32 v1, v3;
	_ =	sdelay $0x1  }
0x134: {  	s11 =	simm.s32 $0x10C00  }
0x135: {  	[tilespmem:s11], [sflag:$0x1] =	stream.indirect_vreg.gather [hbm4b:s3+s2], $0x80, v4, vm0, $0xb8;
	[tilespmem:$0x19C00] =	vst v63  }
0x136: {  	s11 =	simm.s32 $0x11400  }
0x137: {  	[tilespmem:s11], [sflag:$0x1] =	stream.indirect_vreg.gather [hbm4b:s3+s2], $0x80, v3, vm0, $0xb8;
	[tilespmem:$0x19C00] =	vst v63  }
.LBB2_4:
0x138: {  	_ =	swait.ge [sflag:s25], $0x8000  }
0x139: {  	[sflag:s25] =	ssyncset.done $0x0  }
0x13a: {  	[sflag:s25] =	ssyncadd.s32 $0xFFFF8000  }
0x13b: {  	_ =	swait.ge [sflag:s26], $0x800  }
0x13c: {  	[sflag:s26] =	ssyncset.done $0x0  }
0x13d: {  	[sflag:s26] =	ssyncadd.s32 $0xFFFFF800  }
0x13e: {  	[spmem:s5] =	stream.linear.scatter [tilespmem:s29], [sflag:$0x3], $0x4000, $0x38;
	[tilespmem:$0x19C00] =	vst v63  }
0x13f: {  	_ =	swait.ge [sflag:s23], $0x4000  }
0x140: {  	[sflag:s23] =	ssyncset.done $0x0  }
0x141: {  	s1 =	sadd.s32 $0x1000, s1;
	[sflag:s23] =	ssyncadd.s32 $0xFFFFC000  }
0x142: {  	[hbm:s1], [sflag:s31] =	dma.local [spmem:s10], $0x800  }
0x143: {  	_ =	swait.ge [sflag:s28], $0x800  }
0x144: {  	[sflag:s28] =	ssyncset.done $0x0  }
0x145: {  	[sflag:s28] =	ssyncadd.s32 $0xFFFFF800  }
0x146: {  	[spmem:s6] =	stream.linear.scatter [tilespmem:s13], [sflag:$0x4], $0x4000, $0x38;
	[tilespmem:$0x19C00] =	vst v63  }
.Ltmp3:
0x147: {  	_ = 	snop;
	(pc) =	sbr.rel @p0 .LBB2_6-.Ltmp3, $4  }
0x148: {  	_ =	swait.ge [sflag:s24], $0x4000  }
0x149: {  	[sflag:s24] =	ssyncset.done $0x0  }
0x14a: {  	s31 =	sadd.s32 s30, s8;
	[sflag:s24] =	ssyncadd.s32 $0xFFFFC000  }
0x14b: {  	[hbm:s31], [sflag:s4] =	dma.local [spmem:s7], $0x800  }
0x14c: {  	v3 =	vld [tilespmem:s0+$0xFFFFFF90];
	_ =	sdelay $0x4  }
0x14d: {  	v4 =	vshll.u32 v3, $0x1  }
0x14e: {  	v3 =	vand.u32 $0x7, v3;
	v4 =	vand.u32 $0xFFFFFFF0, v4  }
0x14f: {  	v3 =	vor.u32 v3, v4  }
0x150: {  	v4 =	vperm.xlane v3, v0;
	_ =	sdelay $0x1  }
0x151: {  	v3 =	vperm.xlane v3, v2;
	v4 =	vadd.s32 v1, v4;
	_ =	sdelay $0x1  }
0x152: {  	v3 =	vadd.s32 v1, v3;
	_ =	sdelay $0x2  }
0x153: {  	[tilespmem:s29], [sflag:$0x2] =	stream.indirect_vreg.gather [hbm4b:s3+s2], $0x80, v4, vm0, $0xb8;
	[tilespmem:$0x19C00] =	vst v63  }
0x154: {  	s1 =	simm.s32 $0x12400  }
0x155: {  	[tilespmem:s1], [sflag:$0x2] =	stream.indirect_vreg.gather [hbm4b:s3+s2], $0x80, v3, vm0, $0xb8;
	[tilespmem:$0x19C00] =	vst v63  }
0x156: {  	v3 =	vld [tilespmem:s0+$0xFFFFFFA0];
	_ =	sdelay $0x4  }
0x157: {  	v57 =	vshll.u32 v3, $0x1  }
0x158: {  	v3 =	vand.u32 $0x7, v3;
	v4 =	vand.u32 $0xFFFFFFF0, v57  }
0x159: {  	v3 =	vor.u32 v3, v4  }
0x15a: {  	v4 =	vperm.xlane v3, v0;
	_ =	sdelay $0x1  }
0x15b: {  	v3 =	vperm.xlane v3, v2;
	v4 =	vadd.s32 v1, v4;
	_ =	sdelay $0x1  }
0x15c: {  	v3 =	vadd.s32 v1, v3;
	_ =	sdelay $0x1  }
0x15d: {  	s31 =	simm.s32 $0x12C00  }
0x15e: {  	[tilespmem:s31], [sflag:$0x2] =	stream.indirect_vreg.gather [hbm4b:s3+s2], $0x80, v4, vm0, $0xb8;
	[tilespmem:$0x19C00] =	vst v63  }
0x15f: {  	s4 =	simm.s32 $0x13400  }
0x160: {  	[tilespmem:s4], [sflag:$0x2] =	stream.indirect_vreg.gather [hbm4b:s3+s2], $0x80, v3, vm0, $0xb8;
	[tilespmem:$0x19C00] =	vst v63  }
0x161: {  	v3 =	vld [tilespmem:s0+$0xFFFFFFB0];
	_ =	sdelay $0x4  }
0x162: {  	v58 =	vshll.u32 v3, $0x1  }
0x163: {  	v3 =	vand.u32 $0x7, v3;
	v4 =	vand.u32 $0xFFFFFFF0, v58  }
0x164: {  	v3 =	vor.u32 v3, v4  }
0x165: {  	v4 =	vperm.xlane v3, v0;
	_ =	sdelay $0x1  }
0x166: {  	v3 =	vperm.xlane v3, v2;
	v4 =	vadd.s32 v1, v4;
	_ =	sdelay $0x1  }
0x167: {  	v3 =	vadd.s32 v1, v3;
	_ =	sdelay $0x1  }
0x168: {  	s7 =	simm.s32 $0x13C00  }
0x169: {  	[tilespmem:s7], [sflag:$0x2] =	stream.indirect_vreg.gather [hbm4b:s3+s2], $0x80, v4, vm0, $0xb8;
	[tilespmem:$0x19C00] =	vst v63  }
0x16a: {  	s10 =	simm.s32 $0x14400  }
0x16b: {  	[tilespmem:s10], [sflag:$0x2] =	stream.indirect_vreg.gather [hbm4b:s3+s2], $0x80, v3, vm0, $0xb8;
	[tilespmem:$0x19C00] =	vst v63  }
0x16c: {  	v3 =	vld [tilespmem:s0+$0xFFFFFFC0];
	_ =	sdelay $0x4  }
0x16d: {  	v59 =	vshll.u32 v3, $0x1  }
0x16e: {  	v3 =	vand.u32 $0x7, v3;
	v4 =	vand.u32 $0xFFFFFFF0, v59  }
0x16f: {  	v3 =	vor.u32 v3, v4  }
0x170: {  	v4 =	vperm.xlane v3, v0;
	_ =	sdelay $0x1  }
0x171: {  	v3 =	vperm.xlane v3, v2;
	v4 =	vadd.s32 v1, v4;
	_ =	sdelay $0x1  }
0x172: {  	v3 =	vadd.s32 v1, v3;
	_ =	sdelay $0x1  }
0x173: {  	s11 =	simm.s32 $0x14C00  }
0x174: {  	[tilespmem:s11], [sflag:$0x2] =	stream.indirect_vreg.gather [hbm4b:s3+s2], $0x80, v4, vm0, $0xb8;
	[tilespmem:$0x19C00] =	vst v63  }
0x175: {  	s31 =	simm.s32 $0x15400  }
0x176: {  	[tilespmem:s31], [sflag:$0x2] =	stream.indirect_vreg.gather [hbm4b:s3+s2], $0x80, v3, vm0, $0xb8;
	[tilespmem:$0x19C00] =	vst v63  }
0x177: {  	v3 =	vld [tilespmem:s0+$0xFFFFFFD0];
	_ =	sdelay $0x4  }
0x178: {  	v60 =	vshll.u32 v3, $0x1  }
0x179: {  	v3 =	vand.u32 $0x7, v3;
	v4 =	vand.u32 $0xFFFFFFF0, v60  }
0x17a: {  	v3 =	vor.u32 v3, v4  }
0x17b: {  	v4 =	vperm.xlane v3, v0;
	_ =	sdelay $0x1  }
0x17c: {  	v3 =	vperm.xlane v3, v2;
	v4 =	vadd.s32 v1, v4;
	_ =	sdelay $0x1  }
0x17d: {  	v3 =	vadd.s32 v1, v3;
	_ =	sdelay $0x2  }
0x17e: {  	[tilespmem:s13], [sflag:$0x2] =	stream.indirect_vreg.gather [hbm4b:s3+s2], $0x80, v4, vm0, $0xb8;
	[tilespmem:$0x19C00] =	vst v63  }
0x17f: {  	_ = 	snop  }
0x180: {  	[tilespmem:s14], [sflag:$0x2] =	stream.indirect_vreg.gather [hbm4b:s3+s2], $0x80, v3, vm0, $0xb8;
	[tilespmem:$0x19C00] =	vst v63  }
0x181: {  	v3 =	vld [tilespmem:s0+$0xFFFFFFE0];
	_ =	sdelay $0x4  }
0x182: {  	v61 =	vshll.u32 v3, $0x1  }
0x183: {  	v3 =	vand.u32 $0x7, v3;
	v4 =	vand.u32 $0xFFFFFFF0, v61  }
0x184: {  	v3 =	vor.u32 v3, v4  }
0x185: {  	v4 =	vperm.xlane v3, v0;
	_ =	sdelay $0x1  }
0x186: {  	v3 =	vperm.xlane v3, v2;
	v4 =	vadd.s32 v1, v4;
	_ =	sdelay $0x1  }
0x187: {  	v3 =	vadd.s32 v1, v3;
	_ =	sdelay $0x2  }
0x188: {  	[tilespmem:s15], [sflag:$0x2] =	stream.indirect_vreg.gather [hbm4b:s3+s2], $0x80, v4, vm0, $0xb8;
	[tilespmem:$0x19C00] =	vst v63  }
0x189: {  	_ = 	snop  }
0x18a: {  	[tilespmem:s16], [sflag:$0x2] =	stream.indirect_vreg.gather [hbm4b:s3+s2], $0x80, v3, vm0, $0xb8;
	[tilespmem:$0x19C00] =	vst v63  }
0x18b: {  	v3 =	vld [tilespmem:s0+$0xFFFFFFF0];
	_ =	sdelay $0x4  }
0x18c: {  	v62 =	vshll.u32 v3, $0x1  }
0x18d: {  	v3 =	vand.u32 $0x7, v3;
	v4 =	vand.u32 $0xFFFFFFF0, v62  }
0x18e: {  	v3 =	vor.u32 v3, v4  }
0x18f: {  	v4 =	vperm.xlane v3, v0;
	_ =	sdelay $0x1  }
0x190: {  	v3 =	vperm.xlane v3, v2;
	v4 =	vadd.s32 v1, v4;
	_ =	sdelay $0x1  }
0x191: {  	v3 =	vadd.s32 v1, v3;
	_ =	sdelay $0x2  }
0x192: {  	[tilespmem:s17], [sflag:$0x2] =	stream.indirect_vreg.gather [hbm4b:s3+s2], $0x80, v4, vm0, $0xb8;
	[tilespmem:$0x19C00] =	vst v63  }
0x193: {  	_ = 	snop  }
0x194: {  	[tilespmem:s18], [sflag:$0x2] =	stream.indirect_vreg.gather [hbm4b:s3+s2], $0x80, v3, vm0, $0xb8;
	[tilespmem:$0x19C00] =	vst v63  }
0x195: {  	v3 =	vld [tilespmem:s0+$0x0];
	_ =	sdelay $0x4  }
0x196: {  	v63 =	vshll.u32 v3, $0x1  }
0x197: {  	v3 =	vand.u32 $0x7, v3;
	v4 =	vand.u32 $0xFFFFFFF0, v63  }
0x198: {  	v3 =	vor.u32 v3, v4  }
0x199: {  	v4 =	vperm.xlane v3, v0;
	_ =	sdelay $0x1  }
0x19a: {  	v3 =	vperm.xlane v3, v2;
	v4 =	vadd.s32 v1, v4;
	_ =	sdelay $0x1  }
0x19b: {  	v3 =	vadd.s32 v1, v3  }
.Ltmp4:
0x19c: {  	_ = 	snop;
	(pc) =	sbr.rel .LBB2_2-.Ltmp4, $4  }
0x19d: {  	_ = 	snop  }
0x19e: {  	[tilespmem:s19], [sflag:$0x2] =	stream.indirect_vreg.gather [hbm4b:s3+s2], $0x80, v4, vm0, $0xb8;
	[tilespmem:$0x19C00] =	vst v63  }
0x19f: {  	s30 =	sadd.s32 $0x2000, s30;
	s0 =	sadd.s32 $0x100, s0  }
0x1a0: {  	[tilespmem:s21], [sflag:$0x2] =	stream.indirect_vreg.gather [hbm4b:s3+s2], $0x80, v3, vm0, $0xb8;
	[tilespmem:$0x19C00] =	vst v63  }
.LBB2_7:
0x1a1: {  	_ =	sfence.sel $0x180000  }
0x1a2: {  	[bflag:$0x0] =	sbarrier.arrive $0xFFFF  }
0x1a3: {  	_ =	strace $0x90000047  }
0x1a4: {  	s0 =	stileid.u32;
	[bflag:$0x2] =	sbarrier.arrive $0xFFFF  }
0x1a5: {  	p0 =	sne.s32 s0, $0x0;
	s0 =	rddreg [dreg:$0x3]  }
0x1a6: {  	s0 =	sadd.s32 @!p0 $0x100000, s0  }
0x1a7: {  	[sflag:s0] =	ssyncadd.tile.s32 @!p0 $0x1;
	_ =	shalt  }
.Lfunc_end2:
_tile_overlayer_lowered:
.L_overlay_start_2:
0x1a8: {  	(tag) =	ssettag $0x2  }
0x1a9: {  	s0 =	rddreg [dreg:$0x0];
	s2 =	stileid.u32  }
0x1aa: {  	s1 =	rddreg [dreg:$0x1];
	p0 =	sne.s32 s2, $0x0  }
0x1ab: {  	s3 =	rddreg [dreg:$0x2];
	[bflag:$0x3] =	sbarrier.arrive $0xFFFF;
	s2 =	simm.s32 @!p0 $0x1C07  }
0x1ac: {  	[timem:s3], [sflag:s2] =	dma.local @!p0 [hbm:s0], s1  }
0x1ad: {  	s0 =	simm.s32 @!p0 $0x7  }
0x1ae: {  	_ =	swait.ge @!p0 [sflag:s0], s1  }
0x1af: {  	s1 =	ssub.s32 @!p0 $0x0, s1;
	[sflag:s0] =	ssyncset.done @!p0 $0x0  }
0x1b0: {  	[sflag:s0] =	ssyncadd.s32 @!p0 s1  }
0x1b1: {  	[bflag:$0x3] =	sbarrier.arrive $0xFFFF  }
0x1b2: {  	_ =	shalt  }

</sc_bundles>
